<compile_context>
chip_gen: v7x
topology: tpu7x:2x2x1
jax: 0.10.2.dev20260603
libtpu: 0.0.44.dev20260713+nightly
codegen_flags: <defaults>
</compile_context>

<pallas_src>
import dataclasses
import functools

import jax
import jax.numpy as jnp
from jax import lax
from jax.experimental import pallas as pl
from jax.experimental.pallas import tpu as pltpu
from jax.experimental.pallas import tpu_sc as plsc

N = 10000
E = 320000
D = 128
EPS = 1e-5

NC = 2
NS = 16
NW = NC * NS
CHUNK = 128
BLOCK = CHUNK
NBLKS = E // BLOCK
BPW = -(-NBLKS // NW)
NPAD = 10240
RPT = NPAD // NS
DUMP = NPAD - 8


def _sc_agg_build(with_deg: bool):
    out_type = [jax.ShapeDtypeStruct((NC, NPAD, D), jnp.float32)]
    if with_deg:
        out_type.append(jax.ShapeDtypeStruct((NW, 1, N), jnp.float32))

    scratch = [
        pltpu.VMEM((BLOCK,), jnp.int32),
        pltpu.VMEM((BLOCK,), jnp.int32),
        pltpu.VMEM((BLOCK, D), jnp.float32),
        pltpu.VMEM((1, N), jnp.float32),
        pltpu.VMEM_SHARED((NPAD, D), jnp.float32),
        pltpu.SemaphoreType.DMA,
        pltpu.SemaphoreType.DMA,
    ]
    mesh = plsc.VectorSubcoreMesh(core_axis_name="c", subcore_axis_name="s")
    cp = pltpu.CompilerParams()
    if "needs_layout_passes" in pltpu.CompilerParams.__dataclass_fields__:
        cp = dataclasses.replace(cp, needs_layout_passes=False)

    @functools.partial(pl.kernel, out_type=tuple(out_type), mesh=mesh,
                       scratch_types=scratch, compiler_params=cp)
    def sc_agg(*refs):
        if with_deg:
            (src_hbm, dst_hbm, x_hbm, agg_out, deg_out,
             idx_s, idx_d, rows, deg_v, agg_sh, semg, sems) = refs
        else:
            (src_hbm, dst_hbm, x_hbm, agg_out,
             idx_s, idx_d, rows, deg_v, agg_sh, semg, sems) = refs

        cid = lax.axis_index("c")
        sid = lax.axis_index("s")
        wid = sid * NC + cid

        zero16 = jnp.zeros((16,), jnp.float32)
        one16 = jnp.full((16,), 1.0, jnp.float32)
        zero16i = jnp.zeros((16,), jnp.int32)

        @pl.loop(0, CHUNK)
        def _(i):
            for k in range(D // 16):
                rows[i, pl.ds(k * 16, 16)] = zero16

        base_r = sid * RPT
        for k in range(RPT // CHUNK):
            pltpu.sync_copy(rows.at[pl.ds(0, CHUNK)],
                            agg_sh.at[pl.ds(base_r + k * CHUNK, CHUNK)])

        if with_deg:
            @pl.loop(0, N, step=16)
            def _(i):
                deg_v[0, pl.ds(i, 16)] = zero16

        plsc.subcore_barrier()

        @pl.loop(0, BPW)
        def _(j):
            blk = j * NW + wid

            @pl.when(blk < NBLKS)
            def _():
                base = blk * BLOCK
                pltpu.sync_copy(src_hbm.at[pl.ds(base, BLOCK)], idx_s)
                pltpu.sync_copy(dst_hbm.at[pl.ds(base, BLOCK)], idx_d)
                pltpu.async_copy(x_hbm.at[idx_s], rows, semg).wait()
                pltpu.sync_copy(rows, agg_sh.at[idx_d], add=True)
                if with_deg:
                    for k in range(BLOCK // 16):
                        plsc.addupdate_scatter(
                            deg_v, [zero16i, idx_d[pl.ds(k * 16, 16)]],
                            one16)

        plsc.subcore_barrier()

        pltpu.sync_copy(agg_sh.at[pl.ds(base_r, RPT)],
                        agg_out.at[cid, pl.ds(base_r, RPT)])
        if with_deg:
            pltpu.sync_copy(deg_v, deg_out.at[wid])

    return sc_agg


_sc_agg_deg = _sc_agg_build(True)
_sc_agg = _sc_agg_build(False)

BN_ROWS = 2000


def _dense_body(x_ref, a_ref, d_ref, wl_ref, wr_ref, s_ref, t_ref, o_ref):
    agg = a_ref[0] + a_ref[1]
    deg = jnp.sum(d_ref[...], axis=1, keepdims=True)
    mean = agg / jnp.maximum(deg, 1.0)
    h = jnp.dot(mean, wl_ref[...], preferred_element_type=jnp.float32,
                precision=lax.Precision.HIGHEST)
    h = h + jnp.dot(x_ref[...], wr_ref[...], preferred_element_type=jnp.float32,
                    precision=lax.Precision.HIGHEST)
    h = h * s_ref[...] + t_ref[...]
    o_ref[...] = x_ref[...] + jnp.maximum(h, 0.0)


def _dense(x, aggp, degT, WlT, WrT, s, t):
    grid = (N // BN_ROWS,)
    return pl.pallas_call(
        _dense_body,
        grid=grid,
        in_specs=[
            pl.BlockSpec((BN_ROWS, D), lambda i: (i, 0)),
            pl.BlockSpec((NC, BN_ROWS, D), lambda i: (0, i, 0)),
            pl.BlockSpec((BN_ROWS, NW), lambda i: (i, 0)),
            pl.BlockSpec((D, D), lambda i: (0, 0)),
            pl.BlockSpec((D, D), lambda i: (0, 0)),
            pl.BlockSpec((1, D), lambda i: (0, 0)),
            pl.BlockSpec((1, D), lambda i: (0, 0)),
        ],
        out_specs=pl.BlockSpec((BN_ROWS, D), lambda i: (i, 0)),
        out_shape=jax.ShapeDtypeStruct((N, D), jnp.float32),
    )(x, aggp, degT, WlT, WrT, s, t)


def kernel(edge_index, emb, Wl0, bl0, Wr0, g0, b0, rm0, rv0,
           Wl1, bl1, Wr1, g1, b1, rm1, rv1):
    src = edge_index[0]
    dst = edge_index[1]

    s0 = (g0 / jnp.sqrt(rv0 + EPS)).reshape(1, D)
    t0 = ((bl0 - rm0) * s0[0] + b0).reshape(1, D)
    s1 = (g1 / jnp.sqrt(rv1 + EPS)).reshape(1, D)
    t1 = ((bl1 - rm1) * s1[0] + b1).reshape(1, D)

    aggp0, degp = _sc_agg_deg(src, dst, emb)
    degT = degp.reshape(NW, N).T
    x1 = _dense(emb, aggp0, degT, Wl0.T, Wr0.T, s0, t0)
    (aggp1,) = _sc_agg(src, dst, x1)
    x2 = _dense(x1, aggp1, degT, Wl1.T, Wr1.T, s1, t1)
    return x2

# --- scband reference (transcript-rebuilt; emitter-appended) ---
"""Pipeline reference for scband-sagemodel-16638703305293 (READ-ONLY COPY).

The authoritative reference and input builder live on the scoring server;
editing this copy changes nothing except your own understanding.
"""

import jax, jax.numpy as jnp
import numpy as np

N = 10000
E = 320000
D = 128
EPS = 1e-5


def setup_inputs(seed: int = 0) -> dict:
    key = jax.random.key(seed)
    ks = jax.random.split(key, 16)
    inp = {}
    # forward arg (int indices)
    inp["edge_index"] = jax.random.randint(ks[0], (2, E), 0, N, dtype=jnp.int32)
    # learned parameters: node embedding table
    inp["emb"] = jax.random.normal(ks[1], (N, D), dtype=jnp.float32)
    # SAGEConv layer 0: lin_l (aggregated neighbors, with bias), lin_r (root, no bias)
    s = 1.0 / np.sqrt(D)
    inp["Wl0"] = jax.random.uniform(ks[2], (D, D), jnp.float32, -s, s)
    inp["bl0"] = jax.random.uniform(ks[3], (D,), jnp.float32, -s, s)
    inp["Wr0"] = jax.random.uniform(ks[4], (D, D), jnp.float32, -s, s)
    # BatchNorm layer 0 (eval mode: running stats)
    inp["g0"] = jnp.ones((D,), jnp.float32)
    inp["b0"] = jnp.zeros((D,), jnp.float32)
    inp["rm0"] = jnp.zeros((D,), jnp.float32)
    inp["rv0"] = jnp.ones((D,), jnp.float32)
    # SAGEConv layer 1
    inp["Wl1"] = jax.random.uniform(ks[5], (D, D), jnp.float32, -s, s)
    inp["bl1"] = jax.random.uniform(ks[6], (D,), jnp.float32, -s, s)
    inp["Wr1"] = jax.random.uniform(ks[7], (D, D), jnp.float32, -s, s)
    # BatchNorm layer 1
    inp["g1"] = jnp.ones((D,), jnp.float32)
    inp["b1"] = jnp.zeros((D,), jnp.float32)
    inp["rm1"] = jnp.zeros((D,), jnp.float32)
    inp["rv1"] = jnp.ones((D,), jnp.float32)
    return inp


def _sage_conv(x, edge_index, Wl, bl, Wr):
    # PyG SAGEConv with mean aggregation:
    # out[i] = lin_l(mean_{j->i} x[j]) + lin_r(x[i])
    src = edge_index[0]
    dst = edge_index[1]
    msg = jnp.take(x, src, axis=0)                       # gather [E, D]
    agg = jax.ops.segment_sum(msg, dst, num_segments=N)  # scatter-add [N, D]
    deg = jax.ops.segment_sum(jnp.ones((E,), x.dtype), dst, num_segments=N)
    mean = agg / jnp.maximum(deg, 1.0)[:, None]
    return mean @ Wl.T + bl + x @ Wr.T


def _bn_eval(x, g, b, rm, rv):
    return (x - rm) / jnp.sqrt(rv + EPS) * g + b


def reference(edge_index, emb, Wl0, bl0, Wr0, g0, b0, rm0, rv0, Wl1, bl1, Wr1, g1, b1, rm1, rv1):
    # SAGEModel.encode in eval mode (dropout = identity, BN uses running stats)
    x = emb
    # layer 0
    h = _sage_conv(x, edge_index, Wl0, bl0, Wr0)
    h = _bn_eval(h, g0, b0, rm0, rv0)
    h = jax.nn.relu(h)
    x = x + h  # residual (same shape)
    # layer 1
    h = _sage_conv(x, edge_index, Wl1, bl1, Wr1)
    h = _bn_eval(h, g1, b1, rm1, rv1)
    h = jax.nn.relu(h)
    x = x + h
    return x

if __name__ == "__main__":
    import jax
    _d = setup_inputs()
    print(jax.jit(kernel)(*tuple(_d.values())))

</pallas_src>

<mosaic_0001>
#map = affine_map<(d0, d1) -> (0)>
#map1 = affine_map<(d0, d1) -> (0, 0)>
#map2 = affine_map<(d0, d1) -> (0, 0, 0)>
module attributes {stable_mosaic.version = 14 : i64} {
  func.func @sc_agg(%arg0: i32, %arg1: i32, %arg2: memref<320000xi32, #tpu.memory_space<hbm>>, %arg3: memref<320000xi32, #tpu.memory_space<hbm>>, %arg4: memref<10000x128xf32, #tpu.memory_space<hbm>>, %arg5: memref<2x10240x128xf32, #tpu.memory_space<hbm>>, %arg6: memref<32x1x10000xf32, #tpu.memory_space<hbm>>, %arg7: memref<128xi32, #tpu.memory_space<vmem>>, %arg8: memref<128xi32, #tpu.memory_space<vmem>>, %arg9: memref<128x128xf32, #tpu.memory_space<vmem>>, %arg10: memref<1x10000xf32, #tpu.memory_space<vmem>>, %arg11: memref<10240x128xf32, #tpu.memory_space<vmem_shared>>, %arg12: memref<!tpu.dma_semaphore, #tpu.memory_space<semaphore_mem>>, %arg13: memref<!tpu.dma_semaphore, #tpu.memory_space<semaphore_mem>>) attributes {dimension_semantics = [#tpu.dimension_semantics<core_parallel>, #tpu.dimension_semantics<subcore_parallel>], iteration_bounds = array<i64: 2, 16>, scalar_prefetch = 0 : i64, scratch_operands = 7 : i64, tpu.core_type = #tpu.core_type<sc_vector_subcore>, window_params = [{transform_indices = #map}, {transform_indices = #map}, {transform_indices = #map1}, {transform_indices = #map2}, {transform_indices = #map2}]} {
    %mul3A = arith.constant 2 : i32
    %mul3A_0 = arith.muli %arg1, %mul3A : i32
    %add3A = arith.addi %mul3A_0, %arg0 : i32
    %broadcast_in_dim3A = arith.constant 0.000000e+00 : f32
    %broadcast_in_dim3A_1 = vector.broadcast %broadcast_in_dim3A : f32 to vector<16xf32>
    %broadcast_in_dim3A_2 = arith.constant 1.000000e+00 : f32
    %broadcast_in_dim3A_3 = vector.broadcast %broadcast_in_dim3A_2 : f32 to vector<16xf32>
    %broadcast_in_dim3A_4 = arith.constant 0 : i32
    %broadcast_in_dim3A_5 = vector.broadcast %broadcast_in_dim3A_4 : i32 to vector<16xi32>
    %scan3A = arith.constant 0 : i32
    %scan3A_6 = arith.constant 128 : i32
    %scan3A_7 = arith.addi %scan3A, %scan3A_6 : i32
    %scan3A_8 = arith.constant 1 : i32
    scf.for %scan3A_33 = %scan3A to %scan3A_7 step %scan3A_8  : i32 {
      %mul3A_34 = arith.constant 1 : i32
      %mul3A_35 = arith.muli %scan3A_33, %mul3A_34 : i32
      %add3A_36 = arith.constant 0 : i32
      %add3A_37 = arith.addi %add3A_36, %mul3A_35 : i32
      %swap3A = arith.index_cast %add3A_37 : i32 to index
      %swap3A_38 = arith.constant 0 : index
      %swap3A_39 = tpu.vector_load %arg9[%swap3A, %swap3A_38] {strides = array<i32>} : memref<128x128xf32, #tpu.memory_space<vmem>>, vector<16xf32>,
      tpu.vector_store %arg9[%swap3A, %swap3A_38], %broadcast_in_dim3A_1 {strides = array<i32>} : memref<128x128xf32, #tpu.memory_space<vmem>>, vector<16xf32>,
      %swap3A_40 = arith.index_cast %add3A_37 : i32 to index
      %swap3A_41 = arith.constant 16 : index
      %swap3A_42 = tpu.vector_load %arg9[%swap3A_40, %swap3A_41] {strides = array<i32>} : memref<128x128xf32, #tpu.memory_space<vmem>>, vector<16xf32>,
      tpu.vector_store %arg9[%swap3A_40, %swap3A_41], %broadcast_in_dim3A_1 {strides = array<i32>} : memref<128x128xf32, #tpu.memory_space<vmem>>, vector<16xf32>,
      %swap3A_43 = arith.index_cast %add3A_37 : i32 to index
      %swap3A_44 = arith.constant 32 : index
      %swap3A_45 = tpu.vector_load %arg9[%swap3A_43, %swap3A_44] {strides = array<i32>} : memref<128x128xf32, #tpu.memory_space<vmem>>, vector<16xf32>,
      tpu.vector_store %arg9[%swap3A_43, %swap3A_44], %broadcast_in_dim3A_1 {strides = array<i32>} : memref<128x128xf32, #tpu.memory_space<vmem>>, vector<16xf32>,
      %swap3A_46 = arith.index_cast %add3A_37 : i32 to index
      %swap3A_47 = arith.constant 48 : index
      %swap3A_48 = tpu.vector_load %arg9[%swap3A_46, %swap3A_47] {strides = array<i32>} : memref<128x128xf32, #tpu.memory_space<vmem>>, vector<16xf32>,
      tpu.vector_store %arg9[%swap3A_46, %swap3A_47], %broadcast_in_dim3A_1 {strides = array<i32>} : memref<128x128xf32, #tpu.memory_space<vmem>>, vector<16xf32>,
      %swap3A_49 = arith.index_cast %add3A_37 : i32 to index
      %swap3A_50 = arith.constant 64 : index
      %swap3A_51 = tpu.vector_load %arg9[%swap3A_49, %swap3A_50] {strides = array<i32>} : memref<128x128xf32, #tpu.memory_space<vmem>>, vector<16xf32>,
      tpu.vector_store %arg9[%swap3A_49, %swap3A_50], %broadcast_in_dim3A_1 {strides = array<i32>} : memref<128x128xf32, #tpu.memory_space<vmem>>, vector<16xf32>,
      %swap3A_52 = arith.index_cast %add3A_37 : i32 to index
      %swap3A_53 = arith.constant 80 : index
      %swap3A_54 = tpu.vector_load %arg9[%swap3A_52, %swap3A_53] {strides = array<i32>} : memref<128x128xf32, #tpu.memory_space<vmem>>, vector<16xf32>,
      tpu.vector_store %arg9[%swap3A_52, %swap3A_53], %broadcast_in_dim3A_1 {strides = array<i32>} : memref<128x128xf32, #tpu.memory_space<vmem>>, vector<16xf32>,
      %swap3A_55 = arith.index_cast %add3A_37 : i32 to index
      %swap3A_56 = arith.constant 96 : index
      %swap3A_57 = tpu.vector_load %arg9[%swap3A_55, %swap3A_56] {strides = array<i32>} : memref<128x128xf32, #tpu.memory_space<vmem>>, vector<16xf32>,
      tpu.vector_store %arg9[%swap3A_55, %swap3A_56], %broadcast_in_dim3A_1 {strides = array<i32>} : memref<128x128xf32, #tpu.memory_space<vmem>>, vector<16xf32>,
      %swap3A_58 = arith.index_cast %add3A_37 : i32 to index
      %swap3A_59 = arith.constant 112 : index
      %swap3A_60 = tpu.vector_load %arg9[%swap3A_58, %swap3A_59] {strides = array<i32>} : memref<128x128xf32, #tpu.memory_space<vmem>>, vector<16xf32>,
      tpu.vector_store %arg9[%swap3A_58, %swap3A_59], %broadcast_in_dim3A_1 {strides = array<i32>} : memref<128x128xf32, #tpu.memory_space<vmem>>, vector<16xf32>,
    }
    %scan3A_9 = arith.constant 128 : i32
    %mul3A_10 = arith.constant 640 : i32
    %mul3A_11 = arith.muli %arg1, %mul3A_10 : i32
    %add3A_12 = arith.constant 0 : i32
    %add3A_13 = arith.addi %mul3A_11, %add3A_12 : i32
    "tpu.region"() ({
      %run_scoped3A = tpu.sem_alloc : memref<!tpu.dma_semaphore, #tpu.memory_space<semaphore_mem>>
      %dma_start3A = arith.constant 0 : i32
      %dma_start3A_33 = arith.constant 0 : i32
      %dma_start3A_34 = tpu.memref_slice %arg9[%dma_start3A, %dma_start3A_33] : memref<128x128xf32, #tpu.memory_space<vmem>> -> memref<128x128xf32, #tpu.memory_space<vmem>>
      %dma_start3A_35 = arith.constant 0 : i32
      %dma_start3A_36 = tpu.memref_slice %arg11[%add3A_13, %dma_start3A_35] : memref<10240x128xf32, #tpu.memory_space<vmem_shared>> -> memref<128x128xf32, #tpu.memory_space<vmem_shared>>
      %dma_start3A_37 = arith.constant 0 : i32
      %dma_start3A_38 = tpu.memref_slice %arg11[%add3A_13, %dma_start3A_37] : memref<10240x128xf32, #tpu.memory_space<vmem_shared>> -> memref<128x128xf32, #tpu.memory_space<vmem_shared>>
      %dma_start3A_39 = arith.constant 0 : i32
      %dma_start3A_40 = arith.constant 0 : i32
      %dma_start3A_41 = tpu.memref_slice %arg9[%dma_start3A_39, %dma_start3A_40] : memref<128x128xf32, #tpu.memory_space<vmem>> -> memref<128x128xf32, #tpu.memory_space<vmem>>
      tpu.enqueue_dma source(%dma_start3A_41 : memref<128x128xf32, #tpu.memory_space<vmem>>) target(%dma_start3A_38 : memref<128x128xf32, #tpu.memory_space<vmem_shared>>) target_semaphore(%run_scoped3A : memref<!tpu.dma_semaphore, #tpu.memory_space<semaphore_mem>>)
      %dma_wait3A = arith.constant 0 : i32
      %dma_wait3A_42 = arith.constant 0 : i32
      %dma_wait3A_43 = tpu.memref_slice %arg9[%dma_wait3A, %dma_wait3A_42] : memref<128x128xf32, #tpu.memory_space<vmem>> -> memref<128x128xf32, #tpu.memory_space<vmem>>
      %dma_wait3A_44 = arith.constant 0 : i32
      %dma_wait3A_45 = tpu.memref_slice %arg11[%add3A_13, %dma_wait3A_44] : memref<10240x128xf32, #tpu.memory_space<vmem_shared>> -> memref<128x128xf32, #tpu.memory_space<vmem_shared>>
      %dma_wait3A_46 = arith.constant 0 : i32
      %dma_wait3A_47 = tpu.memref_slice %arg11[%add3A_13, %dma_wait3A_46] : memref<10240x128xf32, #tpu.memory_space<vmem_shared>> -> memref<128x128xf32, #tpu.memory_space<vmem_shared>>
      %dma_wait3A_48 = arith.constant 0 : i32
      %dma_wait3A_49 = arith.constant 0 : i32
      %dma_wait3A_50 = tpu.memref_slice %arg9[%dma_wait3A_48, %dma_wait3A_49] : memref<128x128xf32, #tpu.memory_space<vmem>> -> memref<128x128xf32, #tpu.memory_space<vmem>>
      tpu.wait_dma2 semaphore(%run_scoped3A : memref<!tpu.dma_semaphore, #tpu.memory_space<semaphore_mem>>) src(%dma_wait3A_50 : memref<128x128xf32, #tpu.memory_space<vmem>>) dst(%dma_wait3A_47 : memref<128x128xf32, #tpu.memory_space<vmem_shared>>)
      tpu.yield
    }) : () -> ()
    %add3A_14 = arith.constant 128 : i32
    %add3A_15 = arith.addi %mul3A_11, %add3A_14 : i32
    "tpu.region"() ({
      %run_scoped3A = tpu.sem_alloc : memref<!tpu.dma_semaphore, #tpu.memory_space<semaphore_mem>>
      %dma_start3A = arith.constant 0 : i32
      %dma_start3A_33 = arith.constant 0 : i32
      %dma_start3A_34 = tpu.memref_slice %arg9[%dma_start3A, %dma_start3A_33] : memref<128x128xf32, #tpu.memory_space<vmem>> -> memref<128x128xf32, #tpu.memory_space<vmem>>
      %dma_start3A_35 = arith.constant 0 : i32
      %dma_start3A_36 = tpu.memref_slice %arg11[%add3A_15, %dma_start3A_35] : memref<10240x128xf32, #tpu.memory_space<vmem_shared>> -> memref<128x128xf32, #tpu.memory_space<vmem_shared>>
      %dma_start3A_37 = arith.constant 0 : i32
      %dma_start3A_38 = tpu.memref_slice %arg11[%add3A_15, %dma_start3A_37] : memref<10240x128xf32, #tpu.memory_space<vmem_shared>> -> memref<128x128xf32, #tpu.memory_space<vmem_shared>>
      %dma_start3A_39 = arith.constant 0 : i32
      %dma_start3A_40 = arith.constant 0 : i32
      %dma_start3A_41 = tpu.memref_slice %arg9[%dma_start3A_39, %dma_start3A_40] : memref<128x128xf32, #tpu.memory_space<vmem>> -> memref<128x128xf32, #tpu.memory_space<vmem>>
      tpu.enqueue_dma source(%dma_start3A_41 : memref<128x128xf32, #tpu.memory_space<vmem>>) target(%dma_start3A_38 : memref<128x128xf32, #tpu.memory_space<vmem_shared>>) target_semaphore(%run_scoped3A : memref<!tpu.dma_semaphore, #tpu.memory_space<semaphore_mem>>)
      %dma_wait3A = arith.constant 0 : i32
      %dma_wait3A_42 = arith.constant 0 : i32
      %dma_wait3A_43 = tpu.memref_slice %arg9[%dma_wait3A, %dma_wait3A_42] : memref<128x128xf32, #tpu.memory_space<vmem>> -> memref<128x128xf32, #tpu.memory_space<vmem>>
      %dma_wait3A_44 = arith.constant 0 : i32
      %dma_wait3A_45 = tpu.memref_slice %arg11[%add3A_15, %dma_wait3A_44] : memref<10240x128xf32, #tpu.memory_space<vmem_shared>> -> memref<128x128xf32, #tpu.memory_space<vmem_shared>>
      %dma_wait3A_46 = arith.constant 0 : i32
      %dma_wait3A_47 = tpu.memref_slice %arg11[%add3A_15, %dma_wait3A_46] : memref<10240x128xf32, #tpu.memory_space<vmem_shared>> -> memref<128x128xf32, #tpu.memory_space<vmem_shared>>
      %dma_wait3A_48 = arith.constant 0 : i32
      %dma_wait3A_49 = arith.constant 0 : i32
      %dma_wait3A_50 = tpu.memref_slice %arg9[%dma_wait3A_48, %dma_wait3A_49] : memref<128x128xf32, #tpu.memory_space<vmem>> -> memref<128x128xf32, #tpu.memory_space<vmem>>
      tpu.wait_dma2 semaphore(%run_scoped3A : memref<!tpu.dma_semaphore, #tpu.memory_space<semaphore_mem>>) src(%dma_wait3A_50 : memref<128x128xf32, #tpu.memory_space<vmem>>) dst(%dma_wait3A_47 : memref<128x128xf32, #tpu.memory_space<vmem_shared>>)
      tpu.yield
    }) : () -> ()
    %add3A_16 = arith.constant 256 : i32
    %add3A_17 = arith.addi %mul3A_11, %add3A_16 : i32
    "tpu.region"() ({
      %run_scoped3A = tpu.sem_alloc : memref<!tpu.dma_semaphore, #tpu.memory_space<semaphore_mem>>
      %dma_start3A = arith.constant 0 : i32
      %dma_start3A_33 = arith.constant 0 : i32
      %dma_start3A_34 = tpu.memref_slice %arg9[%dma_start3A, %dma_start3A_33] : memref<128x128xf32, #tpu.memory_space<vmem>> -> memref<128x128xf32, #tpu.memory_space<vmem>>
      %dma_start3A_35 = arith.constant 0 : i32
      %dma_start3A_36 = tpu.memref_slice %arg11[%add3A_17, %dma_start3A_35] : memref<10240x128xf32, #tpu.memory_space<vmem_shared>> -> memref<128x128xf32, #tpu.memory_space<vmem_shared>>
      %dma_start3A_37 = arith.constant 0 : i32
      %dma_start3A_38 = tpu.memref_slice %arg11[%add3A_17, %dma_start3A_37] : memref<10240x128xf32, #tpu.memory_space<vmem_shared>> -> memref<128x128xf32, #tpu.memory_space<vmem_shared>>
      %dma_start3A_39 = arith.constant 0 : i32
      %dma_start3A_40 = arith.constant 0 : i32
      %dma_start3A_41 = tpu.memref_slice %arg9[%dma_start3A_39, %dma_start3A_40] : memref<128x128xf32, #tpu.memory_space<vmem>> -> memref<128x128xf32, #tpu.memory_space<vmem>>
      tpu.enqueue_dma source(%dma_start3A_41 : memref<128x128xf32, #tpu.memory_space<vmem>>) target(%dma_start3A_38 : memref<128x128xf32, #tpu.memory_space<vmem_shared>>) target_semaphore(%run_scoped3A : memref<!tpu.dma_semaphore, #tpu.memory_space<semaphore_mem>>)
      %dma_wait3A = arith.constant 0 : i32
      %dma_wait3A_42 = arith.constant 0 : i32
      %dma_wait3A_43 = tpu.memref_slice %arg9[%dma_wait3A, %dma_wait3A_42] : memref<128x128xf32, #tpu.memory_space<vmem>> -> memref<128x128xf32, #tpu.memory_space<vmem>>
      %dma_wait3A_44 = arith.constant 0 : i32
      %dma_wait3A_45 = tpu.memref_slice %arg11[%add3A_17, %dma_wait3A_44] : memref<10240x128xf32, #tpu.memory_space<vmem_shared>> -> memref<128x128xf32, #tpu.memory_space<vmem_shared>>
      %dma_wait3A_46 = arith.constant 0 : i32
      %dma_wait3A_47 = tpu.memref_slice %arg11[%add3A_17, %dma_wait3A_46] : memref<10240x128xf32, #tpu.memory_space<vmem_shared>> -> memref<128x128xf32, #tpu.memory_space<vmem_shared>>
      %dma_wait3A_48 = arith.constant 0 : i32
      %dma_wait3A_49 = arith.constant 0 : i32
      %dma_wait3A_50 = tpu.memref_slice %arg9[%dma_wait3A_48, %dma_wait3A_49] : memref<128x128xf32, #tpu.memory_space<vmem>> -> memref<128x128xf32, #tpu.memory_space<vmem>>
      tpu.wait_dma2 semaphore(%run_scoped3A : memref<!tpu.dma_semaphore, #tpu.memory_space<semaphore_mem>>) src(%dma_wait3A_50 : memref<128x128xf32, #tpu.memory_space<vmem>>) dst(%dma_wait3A_47 : memref<128x128xf32, #tpu.memory_space<vmem_shared>>)
      tpu.yield
    }) : () -> ()
    %add3A_18 = arith.constant 384 : i32
    %add3A_19 = arith.addi %mul3A_11, %add3A_18 : i32
    "tpu.region"() ({
      %run_scoped3A = tpu.sem_alloc : memref<!tpu.dma_semaphore, #tpu.memory_space<semaphore_mem>>
      %dma_start3A = arith.constant 0 : i32
      %dma_start3A_33 = arith.constant 0 : i32
      %dma_start3A_34 = tpu.memref_slice %arg9[%dma_start3A, %dma_start3A_33] : memref<128x128xf32, #tpu.memory_space<vmem>> -> memref<128x128xf32, #tpu.memory_space<vmem>>
      %dma_start3A_35 = arith.constant 0 : i32
      %dma_start3A_36 = tpu.memref_slice %arg11[%add3A_19, %dma_start3A_35] : memref<10240x128xf32, #tpu.memory_space<vmem_shared>> -> memref<128x128xf32, #tpu.memory_space<vmem_shared>>
      %dma_start3A_37 = arith.constant 0 : i32
      %dma_start3A_38 = tpu.memref_slice %arg11[%add3A_19, %dma_start3A_37] : memref<10240x128xf32, #tpu.memory_space<vmem_shared>> -> memref<128x128xf32, #tpu.memory_space<vmem_shared>>
      %dma_start3A_39 = arith.constant 0 : i32
      %dma_start3A_40 = arith.constant 0 : i32
      %dma_start3A_41 = tpu.memref_slice %arg9[%dma_start3A_39, %dma_start3A_40] : memref<128x128xf32, #tpu.memory_space<vmem>> -> memref<128x128xf32, #tpu.memory_space<vmem>>
      tpu.enqueue_dma source(%dma_start3A_41 : memref<128x128xf32, #tpu.memory_space<vmem>>) target(%dma_start3A_38 : memref<128x128xf32, #tpu.memory_space<vmem_shared>>) target_semaphore(%run_scoped3A : memref<!tpu.dma_semaphore, #tpu.memory_space<semaphore_mem>>)
      %dma_wait3A = arith.constant 0 : i32
      %dma_wait3A_42 = arith.constant 0 : i32
      %dma_wait3A_43 = tpu.memref_slice %arg9[%dma_wait3A, %dma_wait3A_42] : memref<128x128xf32, #tpu.memory_space<vmem>> -> memref<128x128xf32, #tpu.memory_space<vmem>>
      %dma_wait3A_44 = arith.constant 0 : i32
      %dma_wait3A_45 = tpu.memref_slice %arg11[%add3A_19, %dma_wait3A_44] : memref<10240x128xf32, #tpu.memory_space<vmem_shared>> -> memref<128x128xf32, #tpu.memory_space<vmem_shared>>
      %dma_wait3A_46 = arith.constant 0 : i32
      %dma_wait3A_47 = tpu.memref_slice %arg11[%add3A_19, %dma_wait3A_46] : memref<10240x128xf32, #tpu.memory_space<vmem_shared>> -> memref<128x128xf32, #tpu.memory_space<vmem_shared>>
      %dma_wait3A_48 = arith.constant 0 : i32
      %dma_wait3A_49 = arith.constant 0 : i32
      %dma_wait3A_50 = tpu.memref_slice %arg9[%dma_wait3A_48, %dma_wait3A_49] : memref<128x128xf32, #tpu.memory_space<vmem>> -> memref<128x128xf32, #tpu.memory_space<vmem>>
      tpu.wait_dma2 semaphore(%run_scoped3A : memref<!tpu.dma_semaphore, #tpu.memory_space<semaphore_mem>>) src(%dma_wait3A_50 : memref<128x128xf32, #tpu.memory_space<vmem>>) dst(%dma_wait3A_47 : memref<128x128xf32, #tpu.memory_space<vmem_shared>>)
      tpu.yield
    }) : () -> ()
    %add3A_20 = arith.constant 512 : i32
    %add3A_21 = arith.addi %mul3A_11, %add3A_20 : i32
    "tpu.region"() ({
      %run_scoped3A = tpu.sem_alloc : memref<!tpu.dma_semaphore, #tpu.memory_space<semaphore_mem>>
      %dma_start3A = arith.constant 0 : i32
      %dma_start3A_33 = arith.constant 0 : i32
      %dma_start3A_34 = tpu.memref_slice %arg9[%dma_start3A, %dma_start3A_33] : memref<128x128xf32, #tpu.memory_space<vmem>> -> memref<128x128xf32, #tpu.memory_space<vmem>>
      %dma_start3A_35 = arith.constant 0 : i32
      %dma_start3A_36 = tpu.memref_slice %arg11[%add3A_21, %dma_start3A_35] : memref<10240x128xf32, #tpu.memory_space<vmem_shared>> -> memref<128x128xf32, #tpu.memory_space<vmem_shared>>
      %dma_start3A_37 = arith.constant 0 : i32
      %dma_start3A_38 = tpu.memref_slice %arg11[%add3A_21, %dma_start3A_37] : memref<10240x128xf32, #tpu.memory_space<vmem_shared>> -> memref<128x128xf32, #tpu.memory_space<vmem_shared>>
      %dma_start3A_39 = arith.constant 0 : i32
      %dma_start3A_40 = arith.constant 0 : i32
      %dma_start3A_41 = tpu.memref_slice %arg9[%dma_start3A_39, %dma_start3A_40] : memref<128x128xf32, #tpu.memory_space<vmem>> -> memref<128x128xf32, #tpu.memory_space<vmem>>
      tpu.enqueue_dma source(%dma_start3A_41 : memref<128x128xf32, #tpu.memory_space<vmem>>) target(%dma_start3A_38 : memref<128x128xf32, #tpu.memory_space<vmem_shared>>) target_semaphore(%run_scoped3A : memref<!tpu.dma_semaphore, #tpu.memory_space<semaphore_mem>>)
      %dma_wait3A = arith.constant 0 : i32
      %dma_wait3A_42 = arith.constant 0 : i32
      %dma_wait3A_43 = tpu.memref_slice %arg9[%dma_wait3A, %dma_wait3A_42] : memref<128x128xf32, #tpu.memory_space<vmem>> -> memref<128x128xf32, #tpu.memory_space<vmem>>
      %dma_wait3A_44 = arith.constant 0 : i32
      %dma_wait3A_45 = tpu.memref_slice %arg11[%add3A_21, %dma_wait3A_44] : memref<10240x128xf32, #tpu.memory_space<vmem_shared>> -> memref<128x128xf32, #tpu.memory_space<vmem_shared>>
      %dma_wait3A_46 = arith.constant 0 : i32
      %dma_wait3A_47 = tpu.memref_slice %arg11[%add3A_21, %dma_wait3A_46] : memref<10240x128xf32, #tpu.memory_space<vmem_shared>> -> memref<128x128xf32, #tpu.memory_space<vmem_shared>>
      %dma_wait3A_48 = arith.constant 0 : i32
      %dma_wait3A_49 = arith.constant 0 : i32
      %dma_wait3A_50 = tpu.memref_slice %arg9[%dma_wait3A_48, %dma_wait3A_49] : memref<128x128xf32, #tpu.memory_space<vmem>> -> memref<128x128xf32, #tpu.memory_space<vmem>>
      tpu.wait_dma2 semaphore(%run_scoped3A : memref<!tpu.dma_semaphore, #tpu.memory_space<semaphore_mem>>) src(%dma_wait3A_50 : memref<128x128xf32, #tpu.memory_space<vmem>>) dst(%dma_wait3A_47 : memref<128x128xf32, #tpu.memory_space<vmem_shared>>)
      tpu.yield
    }) : () -> ()
    %scan3A_22 = arith.constant 0 : i32
    %scan3A_23 = arith.constant 625 : i32
    %scan3A_24 = arith.addi %scan3A_22, %scan3A_23 : i32
    %scan3A_25 = arith.constant 1 : i32
    scf.for %scan3A_33 = %scan3A_22 to %scan3A_24 step %scan3A_25  : i32 {
      %mul3A_34 = arith.constant 16 : i32
      %mul3A_35 = arith.muli %scan3A_33, %mul3A_34 : i32
      %add3A_36 = arith.constant 0 : i32
      %add3A_37 = arith.addi %add3A_36, %mul3A_35 : i32
      %swap3A = arith.constant 0 : i32
      %swap3A_38 = arith.index_cast %swap3A : i32 to index
      %swap3A_39 = arith.index_cast %add3A_37 : i32 to index
      %swap3A_40 = tpu.vector_load %arg10[%swap3A_38, %swap3A_39] {strides = array<i32>} : memref<1x10000xf32, #tpu.memory_space<vmem>>, vector<16xf32>,
      tpu.vector_store %arg10[%swap3A_38, %swap3A_39], %broadcast_in_dim3A_1 {strides = array<i32>} : memref<1x10000xf32, #tpu.memory_space<vmem>>, vector<16xf32>,
    }
    %scan3A_26 = arith.constant 625 : i32
    %barrier3A = arith.constant 0 : index
    tpu.barrier barrier_id(%barrier3A)
    %scan3A_27 = arith.constant 0 : i32
    %scan3A_28 = arith.constant 79 : i32
    %scan3A_29 = arith.addi %scan3A_27, %scan3A_28 : i32
    %scan3A_30 = arith.constant 1 : i32
    scf.for %scan3A_33 = %scan3A_27 to %scan3A_29 step %scan3A_30  : i32 {
      %mul3A_34 = arith.constant 1 : i32
      %mul3A_35 = arith.muli %scan3A_33, %mul3A_34 : i32
      %add3A_36 = arith.constant 0 : i32
      %add3A_37 = arith.addi %add3A_36, %mul3A_35 : i32
      %mul3A_38 = arith.constant 32 : i32
      %mul3A_39 = arith.muli %add3A_37, %mul3A_38 : i32
      %add3A_40 = arith.addi %mul3A_39, %add3A : i32
      %lt3A = arith.constant 2500 : i32
      %lt3A_41 = arith.cmpi slt, %add3A_40, %lt3A : i32
      %convert_element_type3A = arith.extui %lt3A_41 : i1 to i32
      %cond3A = arith.constant 0 : i32
      %cond3A_42 = arith.cmpi ne, %convert_element_type3A, %cond3A : i32
      scf.if %cond3A_42 {
        %mul3A_43 = arith.constant 128 : i32
        %mul3A_44 = arith.muli %add3A_40, %mul3A_43 : i32
        "tpu.region"() ({
          %run_scoped3A = tpu.sem_alloc : memref<!tpu.dma_semaphore, #tpu.memory_space<semaphore_mem>>
          %dma_start3A_64 = tpu.memref_slice %arg2[%mul3A_44] : memref<320000xi32, #tpu.memory_space<hbm>> -> memref<128xi32, #tpu.memory_space<hbm>>
          %dma_start3A_65 = tpu.memref_slice %arg2[%mul3A_44] : memref<320000xi32, #tpu.memory_space<hbm>> -> memref<128xi32, #tpu.memory_space<hbm>>
          tpu.enqueue_dma source(%dma_start3A_65 : memref<128xi32, #tpu.memory_space<hbm>>) target(%arg7 : memref<128xi32, #tpu.memory_space<vmem>>) target_semaphore(%run_scoped3A : memref<!tpu.dma_semaphore, #tpu.memory_space<semaphore_mem>>)
          %dma_wait3A_66 = tpu.memref_slice %arg2[%mul3A_44] : memref<320000xi32, #tpu.memory_space<hbm>> -> memref<128xi32, #tpu.memory_space<hbm>>
          %dma_wait3A_67 = tpu.memref_slice %arg2[%mul3A_44] : memref<320000xi32, #tpu.memory_space<hbm>> -> memref<128xi32, #tpu.memory_space<hbm>>
          tpu.wait_dma2 semaphore(%run_scoped3A : memref<!tpu.dma_semaphore, #tpu.memory_space<semaphore_mem>>) src(%dma_wait3A_67 : memref<128xi32, #tpu.memory_space<hbm>>) dst(%arg7 : memref<128xi32, #tpu.memory_space<vmem>>)
          tpu.yield
        }) : () -> ()
        "tpu.region"() ({
          %run_scoped3A = tpu.sem_alloc : memref<!tpu.dma_semaphore, #tpu.memory_space<semaphore_mem>>
          %dma_start3A_64 = tpu.memref_slice %arg3[%mul3A_44] : memref<320000xi32, #tpu.memory_space<hbm>> -> memref<128xi32, #tpu.memory_space<hbm>>
          %dma_start3A_65 = tpu.memref_slice %arg3[%mul3A_44] : memref<320000xi32, #tpu.memory_space<hbm>> -> memref<128xi32, #tpu.memory_space<hbm>>
          tpu.enqueue_dma source(%dma_start3A_65 : memref<128xi32, #tpu.memory_space<hbm>>) target(%arg8 : memref<128xi32, #tpu.memory_space<vmem>>) target_semaphore(%run_scoped3A : memref<!tpu.dma_semaphore, #tpu.memory_space<semaphore_mem>>)
          %dma_wait3A_66 = tpu.memref_slice %arg3[%mul3A_44] : memref<320000xi32, #tpu.memory_space<hbm>> -> memref<128xi32, #tpu.memory_space<hbm>>
          %dma_wait3A_67 = tpu.memref_slice %arg3[%mul3A_44] : memref<320000xi32, #tpu.memory_space<hbm>> -> memref<128xi32, #tpu.memory_space<hbm>>
          tpu.wait_dma2 semaphore(%run_scoped3A : memref<!tpu.dma_semaphore, #tpu.memory_space<semaphore_mem>>) src(%dma_wait3A_67 : memref<128xi32, #tpu.memory_space<hbm>>) dst(%arg8 : memref<128xi32, #tpu.memory_space<vmem>>)
          tpu.yield
        }) : () -> ()
        %dma_start3A = arith.constant 0 : i32
        %dma_start3A_45 = arith.constant 0 : i32
        %dma_start3A_46 = tpu.memref_slice %arg4[%dma_start3A, %dma_start3A_45] : memref<10000x128xf32, #tpu.memory_space<hbm>> -> memref<10000x128xf32, #tpu.memory_space<hbm>>
        tpu.enqueue_indirect_dma source(%dma_start3A_46 : memref<10000x128xf32, #tpu.memory_space<hbm>>) target(%arg9 : memref<128x128xf32, #tpu.memory_space<vmem>>) offsets(%arg7 : memref<128xi32, #tpu.memory_space<vmem>>) semaphore(%arg12 : memref<!tpu.dma_semaphore, #tpu.memory_space<semaphore_mem>>)
        %dma_wait3A = arith.constant 0 : i32
        %dma_wait3A_47 = arith.constant 0 : i32
        %dma_wait3A_48 = tpu.memref_slice %arg4[%dma_wait3A, %dma_wait3A_47] : memref<10000x128xf32, #tpu.memory_space<hbm>> -> memref<10000x128xf32, #tpu.memory_space<hbm>>
        tpu.wait_indirect_dma semaphore(%arg12 : memref<!tpu.dma_semaphore, #tpu.memory_space<semaphore_mem>>) src(%dma_wait3A_48 : memref<10000x128xf32, #tpu.memory_space<hbm>>) dst(%arg9 : memref<128x128xf32, #tpu.memory_space<vmem>>)
        "tpu.region"() ({
          %run_scoped3A = tpu.sem_alloc : memref<!tpu.dma_semaphore, #tpu.memory_space<semaphore_mem>>
          %dma_start3A_64 = arith.constant 0 : i32
          %dma_start3A_65 = arith.constant 0 : i32
          %dma_start3A_66 = tpu.memref_slice %arg11[%dma_start3A_64, %dma_start3A_65] : memref<10240x128xf32, #tpu.memory_space<vmem_shared>> -> memref<10240x128xf32, #tpu.memory_space<vmem_shared>>
          tpu.enqueue_indirect_dma source(%arg9 : memref<128x128xf32, #tpu.memory_space<vmem>>) target(%dma_start3A_66 : memref<10240x128xf32, #tpu.memory_space<vmem_shared>>) offsets(%arg8 : memref<128xi32, #tpu.memory_space<vmem>>) semaphore(%run_scoped3A : memref<!tpu.dma_semaphore, #tpu.memory_space<semaphore_mem>>) {add = true}
          %dma_wait3A_67 = arith.constant 0 : i32
          %dma_wait3A_68 = arith.constant 0 : i32
          %dma_wait3A_69 = tpu.memref_slice %arg11[%dma_wait3A_67, %dma_wait3A_68] : memref<10240x128xf32, #tpu.memory_space<vmem_shared>> -> memref<10240x128xf32, #tpu.memory_space<vmem_shared>>
          tpu.wait_indirect_dma semaphore(%run_scoped3A : memref<!tpu.dma_semaphore, #tpu.memory_space<semaphore_mem>>) src(%arg9 : memref<128x128xf32, #tpu.memory_space<vmem>>) dst(%dma_wait3A_69 : memref<10240x128xf32, #tpu.memory_space<vmem_shared>>)
          tpu.yield
        }) : () -> ()
        %get3A = arith.constant 0 : index
        %get3A_49 = tpu.vector_load %arg8[%get3A] {strides = array<i32>} : memref<128xi32, #tpu.memory_space<vmem>>, vector<16xi32>,
        tpu.vector_store_idx %arg10[%broadcast_in_dim3A_5, %get3A_49], %broadcast_in_dim3A_3 {add = true} : memref<1x10000xf32, #tpu.memory_space<vmem>>[vector<16xi32>, vector<16xi32>], vector<16xf32>,
        %get3A_50 = arith.constant 16 : index
        %get3A_51 = tpu.vector_load %arg8[%get3A_50] {strides = array<i32>} : memref<128xi32, #tpu.memory_space<vmem>>, vector<16xi32>,
        tpu.vector_store_idx %arg10[%broadcast_in_dim3A_5, %get3A_51], %broadcast_in_dim3A_3 {add = true} : memref<1x10000xf32, #tpu.memory_space<vmem>>[vector<16xi32>, vector<16xi32>], vector<16xf32>,
        %get3A_52 = arith.constant 32 : index
        %get3A_53 = tpu.vector_load %arg8[%get3A_52] {strides = array<i32>} : memref<128xi32, #tpu.memory_space<vmem>>, vector<16xi32>,
        tpu.vector_store_idx %arg10[%broadcast_in_dim3A_5, %get3A_53], %broadcast_in_dim3A_3 {add = true} : memref<1x10000xf32, #tpu.memory_space<vmem>>[vector<16xi32>, vector<16xi32>], vector<16xf32>,
        %get3A_54 = arith.constant 48 : index
        %get3A_55 = tpu.vector_load %arg8[%get3A_54] {strides = array<i32>} : memref<128xi32, #tpu.memory_space<vmem>>, vector<16xi32>,
        tpu.vector_store_idx %arg10[%broadcast_in_dim3A_5, %get3A_55], %broadcast_in_dim3A_3 {add = true} : memref<1x10000xf32, #tpu.memory_space<vmem>>[vector<16xi32>, vector<16xi32>], vector<16xf32>,
        %get3A_56 = arith.constant 64 : index
        %get3A_57 = tpu.vector_load %arg8[%get3A_56] {strides = array<i32>} : memref<128xi32, #tpu.memory_space<vmem>>, vector<16xi32>,
        tpu.vector_store_idx %arg10[%broadcast_in_dim3A_5, %get3A_57], %broadcast_in_dim3A_3 {add = true} : memref<1x10000xf32, #tpu.memory_space<vmem>>[vector<16xi32>, vector<16xi32>], vector<16xf32>,
        %get3A_58 = arith.constant 80 : index
        %get3A_59 = tpu.vector_load %arg8[%get3A_58] {strides = array<i32>} : memref<128xi32, #tpu.memory_space<vmem>>, vector<16xi32>,
        tpu.vector_store_idx %arg10[%broadcast_in_dim3A_5, %get3A_59], %broadcast_in_dim3A_3 {add = true} : memref<1x10000xf32, #tpu.memory_space<vmem>>[vector<16xi32>, vector<16xi32>], vector<16xf32>,
        %get3A_60 = arith.constant 96 : index
        %get3A_61 = tpu.vector_load %arg8[%get3A_60] {strides = array<i32>} : memref<128xi32, #tpu.memory_space<vmem>>, vector<16xi32>,
        tpu.vector_store_idx %arg10[%broadcast_in_dim3A_5, %get3A_61], %broadcast_in_dim3A_3 {add = true} : memref<1x10000xf32, #tpu.memory_space<vmem>>[vector<16xi32>, vector<16xi32>], vector<16xf32>,
        %get3A_62 = arith.constant 112 : index
        %get3A_63 = tpu.vector_load %arg8[%get3A_62] {strides = array<i32>} : memref<128xi32, #tpu.memory_space<vmem>>, vector<16xi32>,
        tpu.vector_store_idx %arg10[%broadcast_in_dim3A_5, %get3A_63], %broadcast_in_dim3A_3 {add = true} : memref<1x10000xf32, #tpu.memory_space<vmem>>[vector<16xi32>, vector<16xi32>], vector<16xf32>,
      } else {
      }
    }
    %scan3A_31 = arith.constant 79 : i32
    %barrier3A_32 = arith.constant 0 : index
    tpu.barrier barrier_id(%barrier3A_32)
    "tpu.region"() ({
      %run_scoped3A = tpu.sem_alloc : memref<!tpu.dma_semaphore, #tpu.memory_space<semaphore_mem>>
      %dma_start3A = arith.constant 0 : i32
      %dma_start3A_33 = tpu.memref_slice %arg5[%arg0, %mul3A_11, %dma_start3A] : memref<2x10240x128xf32, #tpu.memory_space<hbm>> -> memref<1x640x128xf32, #tpu.memory_space<hbm>>
      %dma_start3A_34 = tpu.memref_squeeze %dma_start3A_33 : memref<1x640x128xf32, #tpu.memory_space<hbm>> -> memref<640x128xf32, #tpu.memory_space<hbm>>
      %dma_start3A_35 = arith.constant 0 : i32
      %dma_start3A_36 = tpu.memref_slice %arg11[%mul3A_11, %dma_start3A_35] : memref<10240x128xf32, #tpu.memory_space<vmem_shared>> -> memref<640x128xf32, #tpu.memory_space<vmem_shared>>
      tpu.enqueue_dma source(%dma_start3A_36 : memref<640x128xf32, #tpu.memory_space<vmem_shared>>) target(%dma_start3A_34 : memref<640x128xf32, #tpu.memory_space<hbm>>) target_semaphore(%run_scoped3A : memref<!tpu.dma_semaphore, #tpu.memory_space<semaphore_mem>>)
      %dma_wait3A = arith.constant 0 : i32
      %dma_wait3A_37 = tpu.memref_slice %arg5[%arg0, %mul3A_11, %dma_wait3A] : memref<2x10240x128xf32, #tpu.memory_space<hbm>> -> memref<1x640x128xf32, #tpu.memory_space<hbm>>
      %dma_wait3A_38 = tpu.memref_squeeze %dma_wait3A_37 : memref<1x640x128xf32, #tpu.memory_space<hbm>> -> memref<640x128xf32, #tpu.memory_space<hbm>>
      %dma_wait3A_39 = arith.constant 0 : i32
      %dma_wait3A_40 = tpu.memref_slice %arg11[%mul3A_11, %dma_wait3A_39] : memref<10240x128xf32, #tpu.memory_space<vmem_shared>> -> memref<640x128xf32, #tpu.memory_space<vmem_shared>>
      tpu.wait_dma2 semaphore(%run_scoped3A : memref<!tpu.dma_semaphore, #tpu.memory_space<semaphore_mem>>) src(%dma_wait3A_40 : memref<640x128xf32, #tpu.memory_space<vmem_shared>>) dst(%dma_wait3A_38 : memref<640x128xf32, #tpu.memory_space<hbm>>)
      tpu.yield
    }) : () -> ()
    "tpu.region"() ({
      %run_scoped3A = tpu.sem_alloc : memref<!tpu.dma_semaphore, #tpu.memory_space<semaphore_mem>>
      %dma_start3A = arith.constant 0 : i32
      %dma_start3A_33 = arith.constant 0 : i32
      %dma_start3A_34 = tpu.memref_slice %arg6[%add3A, %dma_start3A, %dma_start3A_33] : memref<32x1x10000xf32, #tpu.memory_space<hbm>> -> memref<1x1x10000xf32, #tpu.memory_space<hbm>>
      %dma_start3A_35 = tpu.memref_squeeze %dma_start3A_34 : memref<1x1x10000xf32, #tpu.memory_space<hbm>> -> memref<1x10000xf32, #tpu.memory_space<hbm>>
      %dma_start3A_36 = arith.constant 0 : i32
      %dma_start3A_37 = arith.constant 0 : i32
      %dma_start3A_38 = tpu.memref_slice %arg6[%add3A, %dma_start3A_36, %dma_start3A_37] : memref<32x1x10000xf32, #tpu.memory_space<hbm>> -> memref<1x1x10000xf32, #tpu.memory_space<hbm>>
      %dma_start3A_39 = tpu.memref_squeeze %dma_start3A_38 : memref<1x1x10000xf32, #tpu.memory_space<hbm>> -> memref<1x10000xf32, #tpu.memory_space<hbm>>
      tpu.enqueue_dma source(%arg10 : memref<1x10000xf32, #tpu.memory_space<vmem>>) target(%dma_start3A_39 : memref<1x10000xf32, #tpu.memory_space<hbm>>) target_semaphore(%run_scoped3A : memref<!tpu.dma_semaphore, #tpu.memory_space<semaphore_mem>>)
      %dma_wait3A = arith.constant 0 : i32
      %dma_wait3A_40 = arith.constant 0 : i32
      %dma_wait3A_41 = tpu.memref_slice %arg6[%add3A, %dma_wait3A, %dma_wait3A_40] : memref<32x1x10000xf32, #tpu.memory_space<hbm>> -> memref<1x1x10000xf32, #tpu.memory_space<hbm>>
      %dma_wait3A_42 = tpu.memref_squeeze %dma_wait3A_41 : memref<1x1x10000xf32, #tpu.memory_space<hbm>> -> memref<1x10000xf32, #tpu.memory_space<hbm>>
      %dma_wait3A_43 = arith.constant 0 : i32
      %dma_wait3A_44 = arith.constant 0 : i32
      %dma_wait3A_45 = tpu.memref_slice %arg6[%add3A, %dma_wait3A_43, %dma_wait3A_44] : memref<32x1x10000xf32, #tpu.memory_space<hbm>> -> memref<1x1x10000xf32, #tpu.memory_space<hbm>>
      %dma_wait3A_46 = tpu.memref_squeeze %dma_wait3A_45 : memref<1x1x10000xf32, #tpu.memory_space<hbm>> -> memref<1x10000xf32, #tpu.memory_space<hbm>>
      tpu.wait_dma2 semaphore(%run_scoped3A : memref<!tpu.dma_semaphore, #tpu.memory_space<semaphore_mem>>) src(%arg10 : memref<1x10000xf32, #tpu.memory_space<vmem>>) dst(%dma_wait3A_46 : memref<1x10000xf32, #tpu.memory_space<hbm>>)
      tpu.yield
    }) : () -> ()
    return
  }
}

#map = affine_map<(d0, d1) -> (0)>
#map1 = affine_map<(d0, d1) -> (0, 0)>
#map2 = affine_map<(d0, d1) -> (0, 0, 0)>
module attributes {stable_mosaic.version = 14 : i64} {
  func.func @sc_agg(%arg0: i32, %arg1: i32, %arg2: memref<320000xi32, #tpu.memory_space<hbm>>, %arg3: memref<320000xi32, #tpu.memory_space<hbm>>, %arg4: memref<10000x128xf32, #tpu.memory_space<hbm>>, %arg5: memref<2x10240x128xf32, #tpu.memory_space<hbm>>, %arg6: memref<128xi32, #tpu.memory_space<vmem>>, %arg7: memref<128xi32, #tpu.memory_space<vmem>>, %arg8: memref<128x128xf32, #tpu.memory_space<vmem>>, %arg9: memref<1x10000xf32, #tpu.memory_space<vmem>>, %arg10: memref<10240x128xf32, #tpu.memory_space<vmem_shared>>, %arg11: memref<!tpu.dma_semaphore, #tpu.memory_space<semaphore_mem>>, %arg12: memref<!tpu.dma_semaphore, #tpu.memory_space<semaphore_mem>>) attributes {dimension_semantics = [#tpu.dimension_semantics<core_parallel>, #tpu.dimension_semantics<subcore_parallel>], iteration_bounds = array<i64: 2, 16>, scalar_prefetch = 0 : i64, scratch_operands = 7 : i64, tpu.core_type = #tpu.core_type<sc_vector_subcore>, window_params = [{transform_indices = #map}, {transform_indices = #map}, {transform_indices = #map1}, {transform_indices = #map2}]} {
    %mul3A = arith.constant 2 : i32
    %mul3A_0 = arith.muli %arg1, %mul3A : i32
    %add3A = arith.addi %mul3A_0, %arg0 : i32
    %broadcast_in_dim3A = arith.constant 0.000000e+00 : f32
    %broadcast_in_dim3A_1 = vector.broadcast %broadcast_in_dim3A : f32 to vector<16xf32>
    %broadcast_in_dim3A_2 = arith.constant 1.000000e+00 : f32
    %broadcast_in_dim3A_3 = vector.broadcast %broadcast_in_dim3A_2 : f32 to vector<16xf32>
    %broadcast_in_dim3A_4 = arith.constant 0 : i32
    %broadcast_in_dim3A_5 = vector.broadcast %broadcast_in_dim3A_4 : i32 to vector<16xi32>
    %scan3A = arith.constant 0 : i32
    %scan3A_6 = arith.constant 128 : i32
    %scan3A_7 = arith.addi %scan3A, %scan3A_6 : i32
    %scan3A_8 = arith.constant 1 : i32
    scf.for %scan3A_28 = %scan3A to %scan3A_7 step %scan3A_8  : i32 {
      %mul3A_29 = arith.constant 1 : i32
      %mul3A_30 = arith.muli %scan3A_28, %mul3A_29 : i32
      %add3A_31 = arith.constant 0 : i32
      %add3A_32 = arith.addi %add3A_31, %mul3A_30 : i32
      %swap3A = arith.index_cast %add3A_32 : i32 to index
      %swap3A_33 = arith.constant 0 : index
      %swap3A_34 = tpu.vector_load %arg8[%swap3A, %swap3A_33] {strides = array<i32>} : memref<128x128xf32, #tpu.memory_space<vmem>>, vector<16xf32>,
      tpu.vector_store %arg8[%swap3A, %swap3A_33], %broadcast_in_dim3A_1 {strides = array<i32>} : memref<128x128xf32, #tpu.memory_space<vmem>>, vector<16xf32>,
      %swap3A_35 = arith.index_cast %add3A_32 : i32 to index
      %swap3A_36 = arith.constant 16 : index
      %swap3A_37 = tpu.vector_load %arg8[%swap3A_35, %swap3A_36] {strides = array<i32>} : memref<128x128xf32, #tpu.memory_space<vmem>>, vector<16xf32>,
      tpu.vector_store %arg8[%swap3A_35, %swap3A_36], %broadcast_in_dim3A_1 {strides = array<i32>} : memref<128x128xf32, #tpu.memory_space<vmem>>, vector<16xf32>,
      %swap3A_38 = arith.index_cast %add3A_32 : i32 to index
      %swap3A_39 = arith.constant 32 : index
      %swap3A_40 = tpu.vector_load %arg8[%swap3A_38, %swap3A_39] {strides = array<i32>} : memref<128x128xf32, #tpu.memory_space<vmem>>, vector<16xf32>,
      tpu.vector_store %arg8[%swap3A_38, %swap3A_39], %broadcast_in_dim3A_1 {strides = array<i32>} : memref<128x128xf32, #tpu.memory_space<vmem>>, vector<16xf32>,
      %swap3A_41 = arith.index_cast %add3A_32 : i32 to index
      %swap3A_42 = arith.constant 48 : index
      %swap3A_43 = tpu.vector_load %arg8[%swap3A_41, %swap3A_42] {strides = array<i32>} : memref<128x128xf32, #tpu.memory_space<vmem>>, vector<16xf32>,
      tpu.vector_store %arg8[%swap3A_41, %swap3A_42], %broadcast_in_dim3A_1 {strides = array<i32>} : memref<128x128xf32, #tpu.memory_space<vmem>>, vector<16xf32>,
      %swap3A_44 = arith.index_cast %add3A_32 : i32 to index
      %swap3A_45 = arith.constant 64 : index
      %swap3A_46 = tpu.vector_load %arg8[%swap3A_44, %swap3A_45] {strides = array<i32>} : memref<128x128xf32, #tpu.memory_space<vmem>>, vector<16xf32>,
      tpu.vector_store %arg8[%swap3A_44, %swap3A_45], %broadcast_in_dim3A_1 {strides = array<i32>} : memref<128x128xf32, #tpu.memory_space<vmem>>, vector<16xf32>,
      %swap3A_47 = arith.index_cast %add3A_32 : i32 to index
      %swap3A_48 = arith.constant 80 : index
      %swap3A_49 = tpu.vector_load %arg8[%swap3A_47, %swap3A_48] {strides = array<i32>} : memref<128x128xf32, #tpu.memory_space<vmem>>, vector<16xf32>,
      tpu.vector_store %arg8[%swap3A_47, %swap3A_48], %broadcast_in_dim3A_1 {strides = array<i32>} : memref<128x128xf32, #tpu.memory_space<vmem>>, vector<16xf32>,
      %swap3A_50 = arith.index_cast %add3A_32 : i32 to index
      %swap3A_51 = arith.constant 96 : index
      %swap3A_52 = tpu.vector_load %arg8[%swap3A_50, %swap3A_51] {strides = array<i32>} : memref<128x128xf32, #tpu.memory_space<vmem>>, vector<16xf32>,
      tpu.vector_store %arg8[%swap3A_50, %swap3A_51], %broadcast_in_dim3A_1 {strides = array<i32>} : memref<128x128xf32, #tpu.memory_space<vmem>>, vector<16xf32>,
      %swap3A_53 = arith.index_cast %add3A_32 : i32 to index
      %swap3A_54 = arith.constant 112 : index
      %swap3A_55 = tpu.vector_load %arg8[%swap3A_53, %swap3A_54] {strides = array<i32>} : memref<128x128xf32, #tpu.memory_space<vmem>>, vector<16xf32>,
      tpu.vector_store %arg8[%swap3A_53, %swap3A_54], %broadcast_in_dim3A_1 {strides = array<i32>} : memref<128x128xf32, #tpu.memory_space<vmem>>, vector<16xf32>,
    }
    %scan3A_9 = arith.constant 128 : i32
    %mul3A_10 = arith.constant 640 : i32
    %mul3A_11 = arith.muli %arg1, %mul3A_10 : i32
    %add3A_12 = arith.constant 0 : i32
    %add3A_13 = arith.addi %mul3A_11, %add3A_12 : i32
    "tpu.region"() ({
      %run_scoped3A = tpu.sem_alloc : memref<!tpu.dma_semaphore, #tpu.memory_space<semaphore_mem>>
      %dma_start3A = arith.constant 0 : i32
      %dma_start3A_28 = arith.constant 0 : i32
      %dma_start3A_29 = tpu.memref_slice %arg8[%dma_start3A, %dma_start3A_28] : memref<128x128xf32, #tpu.memory_space<vmem>> -> memref<128x128xf32, #tpu.memory_space<vmem>>
      %dma_start3A_30 = arith.constant 0 : i32
      %dma_start3A_31 = tpu.memref_slice %arg10[%add3A_13, %dma_start3A_30] : memref<10240x128xf32, #tpu.memory_space<vmem_shared>> -> memref<128x128xf32, #tpu.memory_space<vmem_shared>>
      %dma_start3A_32 = arith.constant 0 : i32
      %dma_start3A_33 = tpu.memref_slice %arg10[%add3A_13, %dma_start3A_32] : memref<10240x128xf32, #tpu.memory_space<vmem_shared>> -> memref<128x128xf32, #tpu.memory_space<vmem_shared>>
      %dma_start3A_34 = arith.constant 0 : i32
      %dma_start3A_35 = arith.constant 0 : i32
      %dma_start3A_36 = tpu.memref_slice %arg8[%dma_start3A_34, %dma_start3A_35] : memref<128x128xf32, #tpu.memory_space<vmem>> -> memref<128x128xf32, #tpu.memory_space<vmem>>
      tpu.enqueue_dma source(%dma_start3A_36 : memref<128x128xf32, #tpu.memory_space<vmem>>) target(%dma_start3A_33 : memref<128x128xf32, #tpu.memory_space<vmem_shared>>) target_semaphore(%run_scoped3A : memref<!tpu.dma_semaphore, #tpu.memory_space<semaphore_mem>>)
      %dma_wait3A = arith.constant 0 : i32
      %dma_wait3A_37 = arith.constant 0 : i32
      %dma_wait3A_38 = tpu.memref_slice %arg8[%dma_wait3A, %dma_wait3A_37] : memref<128x128xf32, #tpu.memory_space<vmem>> -> memref<128x128xf32, #tpu.memory_space<vmem>>
      %dma_wait3A_39 = arith.constant 0 : i32
      %dma_wait3A_40 = tpu.memref_slice %arg10[%add3A_13, %dma_wait3A_39] : memref<10240x128xf32, #tpu.memory_space<vmem_shared>> -> memref<128x128xf32, #tpu.memory_space<vmem_shared>>
      %dma_wait3A_41 = arith.constant 0 : i32
      %dma_wait3A_42 = tpu.memref_slice %arg10[%add3A_13, %dma_wait3A_41] : memref<10240x128xf32, #tpu.memory_space<vmem_shared>> -> memref<128x128xf32, #tpu.memory_space<vmem_shared>>
      %dma_wait3A_43 = arith.constant 0 : i32
      %dma_wait3A_44 = arith.constant 0 : i32
      %dma_wait3A_45 = tpu.memref_slice %arg8[%dma_wait3A_43, %dma_wait3A_44] : memref<128x128xf32, #tpu.memory_space<vmem>> -> memref<128x128xf32, #tpu.memory_space<vmem>>
      tpu.wait_dma2 semaphore(%run_scoped3A : memref<!tpu.dma_semaphore, #tpu.memory_space<semaphore_mem>>) src(%dma_wait3A_45 : memref<128x128xf32, #tpu.memory_space<vmem>>) dst(%dma_wait3A_42 : memref<128x128xf32, #tpu.memory_space<vmem_shared>>)
      tpu.yield
    }) : () -> ()
    %add3A_14 = arith.constant 128 : i32
    %add3A_15 = arith.addi %mul3A_11, %add3A_14 : i32
    "tpu.region"() ({
      %run_scoped3A = tpu.sem_alloc : memref<!tpu.dma_semaphore, #tpu.memory_space<semaphore_mem>>
      %dma_start3A = arith.constant 0 : i32
      %dma_start3A_28 = arith.constant 0 : i32
      %dma_start3A_29 = tpu.memref_slice %arg8[%dma_start3A, %dma_start3A_28] : memref<128x128xf32, #tpu.memory_space<vmem>> -> memref<128x128xf32, #tpu.memory_space<vmem>>
      %dma_start3A_30 = arith.constant 0 : i32
      %dma_start3A_31 = tpu.memref_slice %arg10[%add3A_15, %dma_start3A_30] : memref<10240x128xf32, #tpu.memory_space<vmem_shared>> -> memref<128x128xf32, #tpu.memory_space<vmem_shared>>
      %dma_start3A_32 = arith.constant 0 : i32
      %dma_start3A_33 = tpu.memref_slice %arg10[%add3A_15, %dma_start3A_32] : memref<10240x128xf32, #tpu.memory_space<vmem_shared>> -> memref<128x128xf32, #tpu.memory_space<vmem_shared>>
      %dma_start3A_34 = arith.constant 0 : i32
      %dma_start3A_35 = arith.constant 0 : i32
      %dma_start3A_36 = tpu.memref_slice %arg8[%dma_start3A_34, %dma_start3A_35] : memref<128x128xf32, #tpu.memory_space<vmem>> -> memref<128x128xf32, #tpu.memory_space<vmem>>
      tpu.enqueue_dma source(%dma_start3A_36 : memref<128x128xf32, #tpu.memory_space<vmem>>) target(%dma_start3A_33 : memref<128x128xf32, #tpu.memory_space<vmem_shared>>) target_semaphore(%run_scoped3A : memref<!tpu.dma_semaphore, #tpu.memory_space<semaphore_mem>>)
      %dma_wait3A = arith.constant 0 : i32
      %dma_wait3A_37 = arith.constant 0 : i32
      %dma_wait3A_38 = tpu.memref_slice %arg8[%dma_wait3A, %dma_wait3A_37] : memref<128x128xf32, #tpu.memory_space<vmem>> -> memref<128x128xf32, #tpu.memory_space<vmem>>
      %dma_wait3A_39 = arith.constant 0 : i32
      %dma_wait3A_40 = tpu.memref_slice %arg10[%add3A_15, %dma_wait3A_39] : memref<10240x128xf32, #tpu.memory_space<vmem_shared>> -> memref<128x128xf32, #tpu.memory_space<vmem_shared>>
      %dma_wait3A_41 = arith.constant 0 : i32
      %dma_wait3A_42 = tpu.memref_slice %arg10[%add3A_15, %dma_wait3A_41] : memref<10240x128xf32, #tpu.memory_space<vmem_shared>> -> memref<128x128xf32, #tpu.memory_space<vmem_shared>>
      %dma_wait3A_43 = arith.constant 0 : i32
      %dma_wait3A_44 = arith.constant 0 : i32
      %dma_wait3A_45 = tpu.memref_slice %arg8[%dma_wait3A_43, %dma_wait3A_44] : memref<128x128xf32, #tpu.memory_space<vmem>> -> memref<128x128xf32, #tpu.memory_space<vmem>>
      tpu.wait_dma2 semaphore(%run_scoped3A : memref<!tpu.dma_semaphore, #tpu.memory_space<semaphore_mem>>) src(%dma_wait3A_45 : memref<128x128xf32, #tpu.memory_space<vmem>>) dst(%dma_wait3A_42 : memref<128x128xf32, #tpu.memory_space<vmem_shared>>)
      tpu.yield
    }) : () -> ()
    %add3A_16 = arith.constant 256 : i32
    %add3A_17 = arith.addi %mul3A_11, %add3A_16 : i32
    "tpu.region"() ({
      %run_scoped3A = tpu.sem_alloc : memref<!tpu.dma_semaphore, #tpu.memory_space<semaphore_mem>>
      %dma_start3A = arith.constant 0 : i32
      %dma_start3A_28 = arith.constant 0 : i32
      %dma_start3A_29 = tpu.memref_slice %arg8[%dma_start3A, %dma_start3A_28] : memref<128x128xf32, #tpu.memory_space<vmem>> -> memref<128x128xf32, #tpu.memory_space<vmem>>
      %dma_start3A_30 = arith.constant 0 : i32
      %dma_start3A_31 = tpu.memref_slice %arg10[%add3A_17, %dma_start3A_30] : memref<10240x128xf32, #tpu.memory_space<vmem_shared>> -> memref<128x128xf32, #tpu.memory_space<vmem_shared>>
      %dma_start3A_32 = arith.constant 0 : i32
      %dma_start3A_33 = tpu.memref_slice %arg10[%add3A_17, %dma_start3A_32] : memref<10240x128xf32, #tpu.memory_space<vmem_shared>> -> memref<128x128xf32, #tpu.memory_space<vmem_shared>>
      %dma_start3A_34 = arith.constant 0 : i32
      %dma_start3A_35 = arith.constant 0 : i32
      %dma_start3A_36 = tpu.memref_slice %arg8[%dma_start3A_34, %dma_start3A_35] : memref<128x128xf32, #tpu.memory_space<vmem>> -> memref<128x128xf32, #tpu.memory_space<vmem>>
      tpu.enqueue_dma source(%dma_start3A_36 : memref<128x128xf32, #tpu.memory_space<vmem>>) target(%dma_start3A_33 : memref<128x128xf32, #tpu.memory_space<vmem_shared>>) target_semaphore(%run_scoped3A : memref<!tpu.dma_semaphore, #tpu.memory_space<semaphore_mem>>)
      %dma_wait3A = arith.constant 0 : i32
      %dma_wait3A_37 = arith.constant 0 : i32
      %dma_wait3A_38 = tpu.memref_slice %arg8[%dma_wait3A, %dma_wait3A_37] : memref<128x128xf32, #tpu.memory_space<vmem>> -> memref<128x128xf32, #tpu.memory_space<vmem>>
      %dma_wait3A_39 = arith.constant 0 : i32
      %dma_wait3A_40 = tpu.memref_slice %arg10[%add3A_17, %dma_wait3A_39] : memref<10240x128xf32, #tpu.memory_space<vmem_shared>> -> memref<128x128xf32, #tpu.memory_space<vmem_shared>>
      %dma_wait3A_41 = arith.constant 0 : i32
      %dma_wait3A_42 = tpu.memref_slice %arg10[%add3A_17, %dma_wait3A_41] : memref<10240x128xf32, #tpu.memory_space<vmem_shared>> -> memref<128x128xf32, #tpu.memory_space<vmem_shared>>
      %dma_wait3A_43 = arith.constant 0 : i32
      %dma_wait3A_44 = arith.constant 0 : i32
      %dma_wait3A_45 = tpu.memref_slice %arg8[%dma_wait3A_43, %dma_wait3A_44] : memref<128x128xf32, #tpu.memory_space<vmem>> -> memref<128x128xf32, #tpu.memory_space<vmem>>
      tpu.wait_dma2 semaphore(%run_scoped3A : memref<!tpu.dma_semaphore, #tpu.memory_space<semaphore_mem>>) src(%dma_wait3A_45 : memref<128x128xf32, #tpu.memory_space<vmem>>) dst(%dma_wait3A_42 : memref<128x128xf32, #tpu.memory_space<vmem_shared>>)
      tpu.yield
    }) : () -> ()
    %add3A_18 = arith.constant 384 : i32
    %add3A_19 = arith.addi %mul3A_11, %add3A_18 : i32
    "tpu.region"() ({
      %run_scoped3A = tpu.sem_alloc : memref<!tpu.dma_semaphore, #tpu.memory_space<semaphore_mem>>
      %dma_start3A = arith.constant 0 : i32
      %dma_start3A_28 = arith.constant 0 : i32
      %dma_start3A_29 = tpu.memref_slice %arg8[%dma_start3A, %dma_start3A_28] : memref<128x128xf32, #tpu.memory_space<vmem>> -> memref<128x128xf32, #tpu.memory_space<vmem>>
      %dma_start3A_30 = arith.constant 0 : i32
      %dma_start3A_31 = tpu.memref_slice %arg10[%add3A_19, %dma_start3A_30] : memref<10240x128xf32, #tpu.memory_space<vmem_shared>> -> memref<128x128xf32, #tpu.memory_space<vmem_shared>>
      %dma_start3A_32 = arith.constant 0 : i32
      %dma_start3A_33 = tpu.memref_slice %arg10[%add3A_19, %dma_start3A_32] : memref<10240x128xf32, #tpu.memory_space<vmem_shared>> -> memref<128x128xf32, #tpu.memory_space<vmem_shared>>
      %dma_start3A_34 = arith.constant 0 : i32
      %dma_start3A_35 = arith.constant 0 : i32
      %dma_start3A_36 = tpu.memref_slice %arg8[%dma_start3A_34, %dma_start3A_35] : memref<128x128xf32, #tpu.memory_space<vmem>> -> memref<128x128xf32, #tpu.memory_space<vmem>>
      tpu.enqueue_dma source(%dma_start3A_36 : memref<128x128xf32, #tpu.memory_space<vmem>>) target(%dma_start3A_33 : memref<128x128xf32, #tpu.memory_space<vmem_shared>>) target_semaphore(%run_scoped3A : memref<!tpu.dma_semaphore, #tpu.memory_space<semaphore_mem>>)
      %dma_wait3A = arith.constant 0 : i32
      %dma_wait3A_37 = arith.constant 0 : i32
      %dma_wait3A_38 = tpu.memref_slice %arg8[%dma_wait3A, %dma_wait3A_37] : memref<128x128xf32, #tpu.memory_space<vmem>> -> memref<128x128xf32, #tpu.memory_space<vmem>>
      %dma_wait3A_39 = arith.constant 0 : i32
      %dma_wait3A_40 = tpu.memref_slice %arg10[%add3A_19, %dma_wait3A_39] : memref<10240x128xf32, #tpu.memory_space<vmem_shared>> -> memref<128x128xf32, #tpu.memory_space<vmem_shared>>
      %dma_wait3A_41 = arith.constant 0 : i32
      %dma_wait3A_42 = tpu.memref_slice %arg10[%add3A_19, %dma_wait3A_41] : memref<10240x128xf32, #tpu.memory_space<vmem_shared>> -> memref<128x128xf32, #tpu.memory_space<vmem_shared>>
      %dma_wait3A_43 = arith.constant 0 : i32
      %dma_wait3A_44 = arith.constant 0 : i32
      %dma_wait3A_45 = tpu.memref_slice %arg8[%dma_wait3A_43, %dma_wait3A_44] : memref<128x128xf32, #tpu.memory_space<vmem>> -> memref<128x128xf32, #tpu.memory_space<vmem>>
      tpu.wait_dma2 semaphore(%run_scoped3A : memref<!tpu.dma_semaphore, #tpu.memory_space<semaphore_mem>>) src(%dma_wait3A_45 : memref<128x128xf32, #tpu.memory_space<vmem>>) dst(%dma_wait3A_42 : memref<128x128xf32, #tpu.memory_space<vmem_shared>>)
      tpu.yield
    }) : () -> ()
    %add3A_20 = arith.constant 512 : i32
    %add3A_21 = arith.addi %mul3A_11, %add3A_20 : i32
    "tpu.region"() ({
      %run_scoped3A = tpu.sem_alloc : memref<!tpu.dma_semaphore, #tpu.memory_space<semaphore_mem>>
      %dma_start3A = arith.constant 0 : i32
      %dma_start3A_28 = arith.constant 0 : i32
      %dma_start3A_29 = tpu.memref_slice %arg8[%dma_start3A, %dma_start3A_28] : memref<128x128xf32, #tpu.memory_space<vmem>> -> memref<128x128xf32, #tpu.memory_space<vmem>>
      %dma_start3A_30 = arith.constant 0 : i32
      %dma_start3A_31 = tpu.memref_slice %arg10[%add3A_21, %dma_start3A_30] : memref<10240x128xf32, #tpu.memory_space<vmem_shared>> -> memref<128x128xf32, #tpu.memory_space<vmem_shared>>
      %dma_start3A_32 = arith.constant 0 : i32
      %dma_start3A_33 = tpu.memref_slice %arg10[%add3A_21, %dma_start3A_32] : memref<10240x128xf32, #tpu.memory_space<vmem_shared>> -> memref<128x128xf32, #tpu.memory_space<vmem_shared>>
      %dma_start3A_34 = arith.constant 0 : i32
      %dma_start3A_35 = arith.constant 0 : i32
      %dma_start3A_36 = tpu.memref_slice %arg8[%dma_start3A_34, %dma_start3A_35] : memref<128x128xf32, #tpu.memory_space<vmem>> -> memref<128x128xf32, #tpu.memory_space<vmem>>
      tpu.enqueue_dma source(%dma_start3A_36 : memref<128x128xf32, #tpu.memory_space<vmem>>) target(%dma_start3A_33 : memref<128x128xf32, #tpu.memory_space<vmem_shared>>) target_semaphore(%run_scoped3A : memref<!tpu.dma_semaphore, #tpu.memory_space<semaphore_mem>>)
      %dma_wait3A = arith.constant 0 : i32
      %dma_wait3A_37 = arith.constant 0 : i32
      %dma_wait3A_38 = tpu.memref_slice %arg8[%dma_wait3A, %dma_wait3A_37] : memref<128x128xf32, #tpu.memory_space<vmem>> -> memref<128x128xf32, #tpu.memory_space<vmem>>
      %dma_wait3A_39 = arith.constant 0 : i32
      %dma_wait3A_40 = tpu.memref_slice %arg10[%add3A_21, %dma_wait3A_39] : memref<10240x128xf32, #tpu.memory_space<vmem_shared>> -> memref<128x128xf32, #tpu.memory_space<vmem_shared>>
      %dma_wait3A_41 = arith.constant 0 : i32
      %dma_wait3A_42 = tpu.memref_slice %arg10[%add3A_21, %dma_wait3A_41] : memref<10240x128xf32, #tpu.memory_space<vmem_shared>> -> memref<128x128xf32, #tpu.memory_space<vmem_shared>>
      %dma_wait3A_43 = arith.constant 0 : i32
      %dma_wait3A_44 = arith.constant 0 : i32
      %dma_wait3A_45 = tpu.memref_slice %arg8[%dma_wait3A_43, %dma_wait3A_44] : memref<128x128xf32, #tpu.memory_space<vmem>> -> memref<128x128xf32, #tpu.memory_space<vmem>>
      tpu.wait_dma2 semaphore(%run_scoped3A : memref<!tpu.dma_semaphore, #tpu.memory_space<semaphore_mem>>) src(%dma_wait3A_45 : memref<128x128xf32, #tpu.memory_space<vmem>>) dst(%dma_wait3A_42 : memref<128x128xf32, #tpu.memory_space<vmem_shared>>)
      tpu.yield
    }) : () -> ()
    %barrier3A = arith.constant 0 : index
    tpu.barrier barrier_id(%barrier3A)
    %scan3A_22 = arith.constant 0 : i32
    %scan3A_23 = arith.constant 79 : i32
    %scan3A_24 = arith.addi %scan3A_22, %scan3A_23 : i32
    %scan3A_25 = arith.constant 1 : i32
    scf.for %scan3A_28 = %scan3A_22 to %scan3A_24 step %scan3A_25  : i32 {
      %mul3A_29 = arith.constant 1 : i32
      %mul3A_30 = arith.muli %scan3A_28, %mul3A_29 : i32
      %add3A_31 = arith.constant 0 : i32
      %add3A_32 = arith.addi %add3A_31, %mul3A_30 : i32
      %mul3A_33 = arith.constant 32 : i32
      %mul3A_34 = arith.muli %add3A_32, %mul3A_33 : i32
      %add3A_35 = arith.addi %mul3A_34, %add3A : i32
      %lt3A = arith.constant 2500 : i32
      %lt3A_36 = arith.cmpi slt, %add3A_35, %lt3A : i32
      %convert_element_type3A = arith.extui %lt3A_36 : i1 to i32
      %cond3A = arith.constant 0 : i32
      %cond3A_37 = arith.cmpi ne, %convert_element_type3A, %cond3A : i32
      scf.if %cond3A_37 {
        %mul3A_38 = arith.constant 128 : i32
        %mul3A_39 = arith.muli %add3A_35, %mul3A_38 : i32
        "tpu.region"() ({
          %run_scoped3A = tpu.sem_alloc : memref<!tpu.dma_semaphore, #tpu.memory_space<semaphore_mem>>
          %dma_start3A_44 = tpu.memref_slice %arg2[%mul3A_39] : memref<320000xi32, #tpu.memory_space<hbm>> -> memref<128xi32, #tpu.memory_space<hbm>>
          %dma_start3A_45 = tpu.memref_slice %arg2[%mul3A_39] : memref<320000xi32, #tpu.memory_space<hbm>> -> memref<128xi32, #tpu.memory_space<hbm>>
          tpu.enqueue_dma source(%dma_start3A_45 : memref<128xi32, #tpu.memory_space<hbm>>) target(%arg6 : memref<128xi32, #tpu.memory_space<vmem>>) target_semaphore(%run_scoped3A : memref<!tpu.dma_semaphore, #tpu.memory_space<semaphore_mem>>)
          %dma_wait3A_46 = tpu.memref_slice %arg2[%mul3A_39] : memref<320000xi32, #tpu.memory_space<hbm>> -> memref<128xi32, #tpu.memory_space<hbm>>
          %dma_wait3A_47 = tpu.memref_slice %arg2[%mul3A_39] : memref<320000xi32, #tpu.memory_space<hbm>> -> memref<128xi32, #tpu.memory_space<hbm>>
          tpu.wait_dma2 semaphore(%run_scoped3A : memref<!tpu.dma_semaphore, #tpu.memory_space<semaphore_mem>>) src(%dma_wait3A_47 : memref<128xi32, #tpu.memory_space<hbm>>) dst(%arg6 : memref<128xi32, #tpu.memory_space<vmem>>)
          tpu.yield
        }) : () -> ()
        "tpu.region"() ({
          %run_scoped3A = tpu.sem_alloc : memref<!tpu.dma_semaphore, #tpu.memory_space<semaphore_mem>>
          %dma_start3A_44 = tpu.memref_slice %arg3[%mul3A_39] : memref<320000xi32, #tpu.memory_space<hbm>> -> memref<128xi32, #tpu.memory_space<hbm>>
          %dma_start3A_45 = tpu.memref_slice %arg3[%mul3A_39] : memref<320000xi32, #tpu.memory_space<hbm>> -> memref<128xi32, #tpu.memory_space<hbm>>
          tpu.enqueue_dma source(%dma_start3A_45 : memref<128xi32, #tpu.memory_space<hbm>>) target(%arg7 : memref<128xi32, #tpu.memory_space<vmem>>) target_semaphore(%run_scoped3A : memref<!tpu.dma_semaphore, #tpu.memory_space<semaphore_mem>>)
          %dma_wait3A_46 = tpu.memref_slice %arg3[%mul3A_39] : memref<320000xi32, #tpu.memory_space<hbm>> -> memref<128xi32, #tpu.memory_space<hbm>>
          %dma_wait3A_47 = tpu.memref_slice %arg3[%mul3A_39] : memref<320000xi32, #tpu.memory_space<hbm>> -> memref<128xi32, #tpu.memory_space<hbm>>
          tpu.wait_dma2 semaphore(%run_scoped3A : memref<!tpu.dma_semaphore, #tpu.memory_space<semaphore_mem>>) src(%dma_wait3A_47 : memref<128xi32, #tpu.memory_space<hbm>>) dst(%arg7 : memref<128xi32, #tpu.memory_space<vmem>>)
          tpu.yield
        }) : () -> ()
        %dma_start3A = arith.constant 0 : i32
        %dma_start3A_40 = arith.constant 0 : i32
        %dma_start3A_41 = tpu.memref_slice %arg4[%dma_start3A, %dma_start3A_40] : memref<10000x128xf32, #tpu.memory_space<hbm>> -> memref<10000x128xf32, #tpu.memory_space<hbm>>
        tpu.enqueue_indirect_dma source(%dma_start3A_41 : memref<10000x128xf32, #tpu.memory_space<hbm>>) target(%arg8 : memref<128x128xf32, #tpu.memory_space<vmem>>) offsets(%arg6 : memref<128xi32, #tpu.memory_space<vmem>>) semaphore(%arg11 : memref<!tpu.dma_semaphore, #tpu.memory_space<semaphore_mem>>)
        %dma_wait3A = arith.constant 0 : i32
        %dma_wait3A_42 = arith.constant 0 : i32
        %dma_wait3A_43 = tpu.memref_slice %arg4[%dma_wait3A, %dma_wait3A_42] : memref<10000x128xf32, #tpu.memory_space<hbm>> -> memref<10000x128xf32, #tpu.memory_space<hbm>>
        tpu.wait_indirect_dma semaphore(%arg11 : memref<!tpu.dma_semaphore, #tpu.memory_space<semaphore_mem>>) src(%dma_wait3A_43 : memref<10000x128xf32, #tpu.memory_space<hbm>>) dst(%arg8 : memref<128x128xf32, #tpu.memory_space<vmem>>)
        "tpu.region"() ({
          %run_scoped3A = tpu.sem_alloc : memref<!tpu.dma_semaphore, #tpu.memory_space<semaphore_mem>>
          %dma_start3A_44 = arith.constant 0 : i32
          %dma_start3A_45 = arith.constant 0 : i32
          %dma_start3A_46 = tpu.memref_slice %arg10[%dma_start3A_44, %dma_start3A_45] : memref<10240x128xf32, #tpu.memory_space<vmem_shared>> -> memref<10240x128xf32, #tpu.memory_space<vmem_shared>>
          tpu.enqueue_indirect_dma source(%arg8 : memref<128x128xf32, #tpu.memory_space<vmem>>) target(%dma_start3A_46 : memref<10240x128xf32, #tpu.memory_space<vmem_shared>>) offsets(%arg7 : memref<128xi32, #tpu.memory_space<vmem>>) semaphore(%run_scoped3A : memref<!tpu.dma_semaphore, #tpu.memory_space<semaphore_mem>>) {add = true}
          %dma_wait3A_47 = arith.constant 0 : i32
          %dma_wait3A_48 = arith.constant 0 : i32
          %dma_wait3A_49 = tpu.memref_slice %arg10[%dma_wait3A_47, %dma_wait3A_48] : memref<10240x128xf32, #tpu.memory_space<vmem_shared>> -> memref<10240x128xf32, #tpu.memory_space<vmem_shared>>
          tpu.wait_indirect_dma semaphore(%run_scoped3A : memref<!tpu.dma_semaphore, #tpu.memory_space<semaphore_mem>>) src(%arg8 : memref<128x128xf32, #tpu.memory_space<vmem>>) dst(%dma_wait3A_49 : memref<10240x128xf32, #tpu.memory_space<vmem_shared>>)
          tpu.yield
        }) : () -> ()
      } else {
      }
    }
    %scan3A_26 = arith.constant 79 : i32
    %barrier3A_27 = arith.constant 0 : index
    tpu.barrier barrier_id(%barrier3A_27)
    "tpu.region"() ({
      %run_scoped3A = tpu.sem_alloc : memref<!tpu.dma_semaphore, #tpu.memory_space<semaphore_mem>>
      %dma_start3A = arith.constant 0 : i32
      %dma_start3A_28 = tpu.memref_slice %arg5[%arg0, %mul3A_11, %dma_start3A] : memref<2x10240x128xf32, #tpu.memory_space<hbm>> -> memref<1x640x128xf32, #tpu.memory_space<hbm>>
      %dma_start3A_29 = tpu.memref_squeeze %dma_start3A_28 : memref<1x640x128xf32, #tpu.memory_space<hbm>> -> memref<640x128xf32, #tpu.memory_space<hbm>>
      %dma_start3A_30 = arith.constant 0 : i32
      %dma_start3A_31 = tpu.memref_slice %arg10[%mul3A_11, %dma_start3A_30] : memref<10240x128xf32, #tpu.memory_space<vmem_shared>> -> memref<640x128xf32, #tpu.memory_space<vmem_shared>>
      tpu.enqueue_dma source(%dma_start3A_31 : memref<640x128xf32, #tpu.memory_space<vmem_shared>>) target(%dma_start3A_29 : memref<640x128xf32, #tpu.memory_space<hbm>>) target_semaphore(%run_scoped3A : memref<!tpu.dma_semaphore, #tpu.memory_space<semaphore_mem>>)
      %dma_wait3A = arith.constant 0 : i32
      %dma_wait3A_32 = tpu.memref_slice %arg5[%arg0, %mul3A_11, %dma_wait3A] : memref<2x10240x128xf32, #tpu.memory_space<hbm>> -> memref<1x640x128xf32, #tpu.memory_space<hbm>>
      %dma_wait3A_33 = tpu.memref_squeeze %dma_wait3A_32 : memref<1x640x128xf32, #tpu.memory_space<hbm>> -> memref<640x128xf32, #tpu.memory_space<hbm>>
      %dma_wait3A_34 = arith.constant 0 : i32
      %dma_wait3A_35 = tpu.memref_slice %arg10[%mul3A_11, %dma_wait3A_34] : memref<10240x128xf32, #tpu.memory_space<vmem_shared>> -> memref<640x128xf32, #tpu.memory_space<vmem_shared>>
      tpu.wait_dma2 semaphore(%run_scoped3A : memref<!tpu.dma_semaphore, #tpu.memory_space<semaphore_mem>>) src(%dma_wait3A_35 : memref<640x128xf32, #tpu.memory_space<vmem_shared>>) dst(%dma_wait3A_33 : memref<640x128xf32, #tpu.memory_space<hbm>>)
      tpu.yield
    }) : () -> ()
    return
  }
}

module attributes {stable_mosaic.version = 14 : i64} {
  func.func @_dense_body(%arg0: i32, %arg1: memref<2000x128xf32, #tpu.memory_space<vmem>>, %arg2: memref<2x2000x128xf32, #tpu.memory_space<vmem>>, %arg3: memref<2000x32xf32, #tpu.memory_space<vmem>>, %arg4: memref<128x128xf32, #tpu.memory_space<vmem>>, %arg5: memref<128x128xf32, #tpu.memory_space<vmem>>, %arg6: memref<1x128xf32, #tpu.memory_space<vmem>>, %arg7: memref<1x128xf32, #tpu.memory_space<vmem>>, %arg8: memref<2000x128xf32, #tpu.memory_space<vmem>>) attributes {dimension_semantics = [#tpu.dimension_semantics<arbitrary>], iteration_bounds = array<i64: 5>, scalar_prefetch = 0 : i64, scratch_operands = 0 : i64, tpu.core_type = #tpu.core_type<tc>, window_params = [{transform_indices = @transform_0, window_bounds = array<i64: 2000, 128>}, {transform_indices = @transform_1, window_bounds = array<i64: 2, 2000, 128>}, {transform_indices = @transform_2, window_bounds = array<i64: 2000, 32>}, {pipeline_mode = #tpu.pipeline_mode<synchronous>, transform_indices = @transform_3, window_bounds = array<i64: 128, 128>}, {pipeline_mode = #tpu.pipeline_mode<synchronous>, transform_indices = @transform_4, window_bounds = array<i64: 128, 128>}, {pipeline_mode = #tpu.pipeline_mode<synchronous>, transform_indices = @transform_5, window_bounds = array<i64: 1, 128>}, {pipeline_mode = #tpu.pipeline_mode<synchronous>, transform_indices = @transform_6, window_bounds = array<i64: 1, 128>}, {transform_indices = @transform_7, window_bounds = array<i64: 2000, 128>}]} {
    %get3A = arith.constant 0 : index
    %get3A_0 = arith.constant 0 : index
    %get3A_1 = arith.constant 0 : index
    %get3A_2 = vector.load %arg2[%get3A, %get3A_0, %get3A_1] : memref<2x2000x128xf32, #tpu.memory_space<vmem>>, vector<1x2000x128xf32>
    %get3A_3 = vector.shape_cast %get3A_2 : vector<1x2000x128xf32> to vector<2000x128xf32>
    %get3A_4 = arith.constant 1 : index
    %get3A_5 = arith.constant 0 : index
    %get3A_6 = arith.constant 0 : index
    %get3A_7 = vector.load %arg2[%get3A_4, %get3A_5, %get3A_6] : memref<2x2000x128xf32, #tpu.memory_space<vmem>>, vector<1x2000x128xf32>
    %get3A_8 = vector.shape_cast %get3A_7 : vector<1x2000x128xf32> to vector<2000x128xf32>
    %add3A = arith.addf %get3A_3, %get3A_8 : vector<2000x128xf32>
    %get3A_9 = arith.constant 0 : index
    %get3A_10 = arith.constant 0 : index
    %get3A_11 = vector.load %arg3[%get3A_9, %get3A_10] : memref<2000x32xf32, #tpu.memory_space<vmem>>, vector<2000x32xf32>
    %reduce_sum3A = arith.constant dense<0.000000e+00> : vector<2000xf32>
    %reduce_sum3A_12 = vector.multi_reduction <add>, %get3A_11, %reduce_sum3A [1] : vector<2000x32xf32> to vector<2000xf32>
    %broadcast_in_dim3A = vector.shape_cast %reduce_sum3A_12 : vector<2000xf32> to vector<2000x1xf32>
    %max3A = arith.constant 1.000000e+00 : f32
    %max3A_13 = vector.broadcast %max3A : f32 to vector<2000x1xf32>
    %max3A_14 = arith.maximumf %broadcast_in_dim3A, %max3A_13 : vector<2000x1xf32>
    %div3A = vector.broadcast %max3A_14 : vector<2000x1xf32> to vector<2000x128xf32>
    %div3A_15 = arith.divf %add3A, %div3A : vector<2000x128xf32>
    %get3A_16 = arith.constant 0 : index
    %get3A_17 = arith.constant 0 : index
    %get3A_18 = vector.load %arg4[%get3A_16, %get3A_17] : memref<128x128xf32, #tpu.memory_space<vmem>>, vector<128x128xf32>
    %dot_general3A = arith.constant dense<0.000000e+00> : vector<2000x128xf32>
    %dot_general3A_19 = tpu.matmul %div3A_15, %get3A_18, %dot_general3A {dimension_numbers = #tpu.dot_dimension_numbers<[1], [0], [0], [1], [0, 0, 1, 1], [], []>, precision = #tpu.contract_precision<fp32>, transpose_lhs_hint = false} : vector<2000x128xf32>, vector<128x128xf32>, vector<2000x128xf32> -> vector<2000x128xf32>
    %get3A_20 = arith.constant 0 : index
    %get3A_21 = arith.constant 0 : index
    %get3A_22 = vector.load %arg1[%get3A_20, %get3A_21] : memref<2000x128xf32, #tpu.memory_space<vmem>>, vector<2000x128xf32>
    %get3A_23 = arith.constant 0 : index
    %get3A_24 = arith.constant 0 : index
    %get3A_25 = vector.load %arg5[%get3A_23, %get3A_24] : memref<128x128xf32, #tpu.memory_space<vmem>>, vector<128x128xf32>
    %dot_general3A_26 = arith.constant dense<0.000000e+00> : vector<2000x128xf32>
    %dot_general3A_27 = tpu.matmul %get3A_22, %get3A_25, %dot_general3A_26 {dimension_numbers = #tpu.dot_dimension_numbers<[1], [0], [0], [1], [0, 0, 1, 1], [], []>, precision = #tpu.contract_precision<fp32>, transpose_lhs_hint = false} : vector<2000x128xf32>, vector<128x128xf32>, vector<2000x128xf32> -> vector<2000x128xf32>
    %add3A_28 = arith.addf %dot_general3A_19, %dot_general3A_27 : vector<2000x128xf32>
    %get3A_29 = arith.constant 0 : index
    %get3A_30 = arith.constant 0 : index
    %get3A_31 = vector.load %arg6[%get3A_29, %get3A_30] : memref<1x128xf32, #tpu.memory_space<vmem>>, vector<1x128xf32>
    %mul3A = vector.broadcast %get3A_31 : vector<1x128xf32> to vector<2000x128xf32>
    %mul3A_32 = arith.mulf %add3A_28, %mul3A : vector<2000x128xf32>
    %get3A_33 = arith.constant 0 : index
    %get3A_34 = arith.constant 0 : index
    %get3A_35 = vector.load %arg7[%get3A_33, %get3A_34] : memref<1x128xf32, #tpu.memory_space<vmem>>, vector<1x128xf32>
    %add3A_36 = vector.broadcast %get3A_35 : vector<1x128xf32> to vector<2000x128xf32>
    %add3A_37 = arith.addf %mul3A_32, %add3A_36 : vector<2000x128xf32>
    %get3A_38 = arith.constant 0 : index
    %get3A_39 = arith.constant 0 : index
    %get3A_40 = vector.load %arg1[%get3A_38, %get3A_39] : memref<2000x128xf32, #tpu.memory_space<vmem>>, vector<2000x128xf32>
    %max3A_41 = arith.constant 0.000000e+00 : f32
    %max3A_42 = vector.broadcast %max3A_41 : f32 to vector<2000x128xf32>
    %max3A_43 = arith.maximumf %add3A_37, %max3A_42 : vector<2000x128xf32>
    %add3A_44 = arith.addf %get3A_40, %max3A_43 : vector<2000x128xf32>
    %swap3A = arith.constant 0 : index
    %swap3A_45 = arith.constant 0 : index
    %swap3A_46 = vector.load %arg8[%swap3A, %swap3A_45] : memref<2000x128xf32, #tpu.memory_space<vmem>>, vector<2000x128xf32>
    tpu.vector_store %arg8[%swap3A, %swap3A_45], %add3A_44 {strides = array<i32>} : memref<2000x128xf32, #tpu.memory_space<vmem>>, vector<2000x128xf32>,
    return
  }
  func.func @transform_0(%arg0: i32) -> (i32, i32) {
    %c0_i32 = arith.constant 0 : i32
    %c0_i32_0 = arith.constant 0 : i32
    return %arg0, %c0_i32 : i32, i32
  }
  func.func @transform_1(%arg0: i32) -> (i32, i32, i32) {
    %c0_i32 = arith.constant 0 : i32
    %c0_i32_0 = arith.constant 0 : i32
    %c0_i32_1 = arith.constant 0 : i32
    return %c0_i32, %arg0, %c0_i32_0 : i32, i32, i32
  }
  func.func @transform_2(%arg0: i32) -> (i32, i32) {
    %c0_i32 = arith.constant 0 : i32
    %c0_i32_0 = arith.constant 0 : i32
    return %arg0, %c0_i32 : i32, i32
  }
  func.func @transform_3(%arg0: i32) -> (i32, i32) {
    %c0_i32 = arith.constant 0 : i32
    %c0_i32_0 = arith.constant 0 : i32
    %c0_i32_1 = arith.constant 0 : i32
    return %c0_i32, %c0_i32_0 : i32, i32
  }
  func.func @transform_4(%arg0: i32) -> (i32, i32) {
    %c0_i32 = arith.constant 0 : i32
    %c0_i32_0 = arith.constant 0 : i32
    %c0_i32_1 = arith.constant 0 : i32
    return %c0_i32, %c0_i32_0 : i32, i32
  }
  func.func @transform_5(%arg0: i32) -> (i32, i32) {
    %c0_i32 = arith.constant 0 : i32
    %c0_i32_0 = arith.constant 0 : i32
    %c0_i32_1 = arith.constant 0 : i32
    return %c0_i32, %c0_i32_0 : i32, i32
  }
  func.func @transform_6(%arg0: i32) -> (i32, i32) {
    %c0_i32 = arith.constant 0 : i32
    %c0_i32_0 = arith.constant 0 : i32
    %c0_i32_1 = arith.constant 0 : i32
    return %c0_i32, %c0_i32_0 : i32, i32
  }
  func.func @transform_7(%arg0: i32) -> (i32, i32) {
    %c0_i32 = arith.constant 0 : i32
    %c0_i32_0 = arith.constant 0 : i32
    return %arg0, %c0_i32 : i32, i32
  }
}

module attributes {stable_mosaic.version = 14 : i64} {
  func.func @_dense_body(%arg0: i32, %arg1: memref<2000x128xf32, #tpu.memory_space<vmem>>, %arg2: memref<2x2000x128xf32, #tpu.memory_space<vmem>>, %arg3: memref<2000x32xf32, #tpu.memory_space<vmem>>, %arg4: memref<128x128xf32, #tpu.memory_space<vmem>>, %arg5: memref<128x128xf32, #tpu.memory_space<vmem>>, %arg6: memref<1x128xf32, #tpu.memory_space<vmem>>, %arg7: memref<1x128xf32, #tpu.memory_space<vmem>>, %arg8: memref<2000x128xf32, #tpu.memory_space<vmem>>) attributes {dimension_semantics = [#tpu.dimension_semantics<arbitrary>], iteration_bounds = array<i64: 5>, scalar_prefetch = 0 : i64, scratch_operands = 0 : i64, tpu.core_type = #tpu.core_type<tc>, window_params = [{transform_indices = @transform_0, window_bounds = array<i64: 2000, 128>}, {transform_indices = @transform_1, window_bounds = array<i64: 2, 2000, 128>}, {transform_indices = @transform_2, window_bounds = array<i64: 2000, 32>}, {pipeline_mode = #tpu.pipeline_mode<synchronous>, transform_indices = @transform_3, window_bounds = array<i64: 128, 128>}, {pipeline_mode = #tpu.pipeline_mode<synchronous>, transform_indices = @transform_4, window_bounds = array<i64: 128, 128>}, {pipeline_mode = #tpu.pipeline_mode<synchronous>, transform_indices = @transform_5, window_bounds = array<i64: 1, 128>}, {pipeline_mode = #tpu.pipeline_mode<synchronous>, transform_indices = @transform_6, window_bounds = array<i64: 1, 128>}, {transform_indices = @transform_7, window_bounds = array<i64: 2000, 128>}]} {
    %get3A = arith.constant 0 : index
    %get3A_0 = arith.constant 0 : index
    %get3A_1 = arith.constant 0 : index
    %get3A_2 = vector.load %arg2[%get3A, %get3A_0, %get3A_1] : memref<2x2000x128xf32, #tpu.memory_space<vmem>>, vector<1x2000x128xf32>
    %get3A_3 = vector.shape_cast %get3A_2 : vector<1x2000x128xf32> to vector<2000x128xf32>
    %get3A_4 = arith.constant 1 : index
    %get3A_5 = arith.constant 0 : index
    %get3A_6 = arith.constant 0 : index
    %get3A_7 = vector.load %arg2[%get3A_4, %get3A_5, %get3A_6] : memref<2x2000x128xf32, #tpu.memory_space<vmem>>, vector<1x2000x128xf32>
    %get3A_8 = vector.shape_cast %get3A_7 : vector<1x2000x128xf32> to vector<2000x128xf32>
    %add3A = arith.addf %get3A_3, %get3A_8 : vector<2000x128xf32>
    %get3A_9 = arith.constant 0 : index
    %get3A_10 = arith.constant 0 : index
    %get3A_11 = vector.load %arg3[%get3A_9, %get3A_10] : memref<2000x32xf32, #tpu.memory_space<vmem>>, vector<2000x32xf32>
    %reduce_sum3A = arith.constant dense<0.000000e+00> : vector<2000xf32>
    %reduce_sum3A_12 = vector.multi_reduction <add>, %get3A_11, %reduce_sum3A [1] : vector<2000x32xf32> to vector<2000xf32>
    %broadcast_in_dim3A = vector.shape_cast %reduce_sum3A_12 : vector<2000xf32> to vector<2000x1xf32>
    %max3A = arith.constant 1.000000e+00 : f32
    %max3A_13 = vector.broadcast %max3A : f32 to vector<2000x1xf32>
    %max3A_14 = arith.maximumf %broadcast_in_dim3A, %max3A_13 : vector<2000x1xf32>
    %div3A = vector.broadcast %max3A_14 : vector<2000x1xf32> to vector<2000x128xf32>
    %div3A_15 = arith.divf %add3A, %div3A : vector<2000x128xf32>
    %get3A_16 = arith.constant 0 : index
    %get3A_17 = arith.constant 0 : index
    %get3A_18 = vector.load %arg4[%get3A_16, %get3A_17] : memref<128x128xf32, #tpu.memory_space<vmem>>, vector<128x128xf32>
    %dot_general3A = arith.constant dense<0.000000e+00> : vector<2000x128xf32>
    %dot_general3A_19 = tpu.matmul %div3A_15, %get3A_18, %dot_general3A {dimension_numbers = #tpu.dot_dimension_numbers<[1], [0], [0], [1], [0, 0, 1, 1], [], []>, precision = #tpu.contract_precision<fp32>, transpose_lhs_hint = false} : vector<2000x128xf32>, vector<128x128xf32>, vector<2000x128xf32> -> vector<2000x128xf32>
    %get3A_20 = arith.constant 0 : index
    %get3A_21 = arith.constant 0 : index
    %get3A_22 = vector.load %arg1[%get3A_20, %get3A_21] : memref<2000x128xf32, #tpu.memory_space<vmem>>, vector<2000x128xf32>
    %get3A_23 = arith.constant 0 : index
    %get3A_24 = arith.constant 0 : index
    %get3A_25 = vector.load %arg5[%get3A_23, %get3A_24] : memref<128x128xf32, #tpu.memory_space<vmem>>, vector<128x128xf32>
    %dot_general3A_26 = arith.constant dense<0.000000e+00> : vector<2000x128xf32>
    %dot_general3A_27 = tpu.matmul %get3A_22, %get3A_25, %dot_general3A_26 {dimension_numbers = #tpu.dot_dimension_numbers<[1], [0], [0], [1], [0, 0, 1, 1], [], []>, precision = #tpu.contract_precision<fp32>, transpose_lhs_hint = false} : vector<2000x128xf32>, vector<128x128xf32>, vector<2000x128xf32> -> vector<2000x128xf32>
    %add3A_28 = arith.addf %dot_general3A_19, %dot_general3A_27 : vector<2000x128xf32>
    %get3A_29 = arith.constant 0 : index
    %get3A_30 = arith.constant 0 : index
    %get3A_31 = vector.load %arg6[%get3A_29, %get3A_30] : memref<1x128xf32, #tpu.memory_space<vmem>>, vector<1x128xf32>
    %mul3A = vector.broadcast %get3A_31 : vector<1x128xf32> to vector<2000x128xf32>
    %mul3A_32 = arith.mulf %add3A_28, %mul3A : vector<2000x128xf32>
    %get3A_33 = arith.constant 0 : index
    %get3A_34 = arith.constant 0 : index
    %get3A_35 = vector.load %arg7[%get3A_33, %get3A_34] : memref<1x128xf32, #tpu.memory_space<vmem>>, vector<1x128xf32>
    %add3A_36 = vector.broadcast %get3A_35 : vector<1x128xf32> to vector<2000x128xf32>
    %add3A_37 = arith.addf %mul3A_32, %add3A_36 : vector<2000x128xf32>
    %get3A_38 = arith.constant 0 : index
    %get3A_39 = arith.constant 0 : index
    %get3A_40 = vector.load %arg1[%get3A_38, %get3A_39] : memref<2000x128xf32, #tpu.memory_space<vmem>>, vector<2000x128xf32>
    %max3A_41 = arith.constant 0.000000e+00 : f32
    %max3A_42 = vector.broadcast %max3A_41 : f32 to vector<2000x128xf32>
    %max3A_43 = arith.maximumf %add3A_37, %max3A_42 : vector<2000x128xf32>
    %add3A_44 = arith.addf %get3A_40, %max3A_43 : vector<2000x128xf32>
    %swap3A = arith.constant 0 : index
    %swap3A_45 = arith.constant 0 : index
    %swap3A_46 = vector.load %arg8[%swap3A, %swap3A_45] : memref<2000x128xf32, #tpu.memory_space<vmem>>, vector<2000x128xf32>
    tpu.vector_store %arg8[%swap3A, %swap3A_45], %add3A_44 {strides = array<i32>} : memref<2000x128xf32, #tpu.memory_space<vmem>>, vector<2000x128xf32>,
    return
  }
  func.func @transform_0(%arg0: i32) -> (i32, i32) {
    %c0_i32 = arith.constant 0 : i32
    %c0_i32_0 = arith.constant 0 : i32
    return %arg0, %c0_i32 : i32, i32
  }
  func.func @transform_1(%arg0: i32) -> (i32, i32, i32) {
    %c0_i32 = arith.constant 0 : i32
    %c0_i32_0 = arith.constant 0 : i32
    %c0_i32_1 = arith.constant 0 : i32
    return %c0_i32, %arg0, %c0_i32_0 : i32, i32, i32
  }
  func.func @transform_2(%arg0: i32) -> (i32, i32) {
    %c0_i32 = arith.constant 0 : i32
    %c0_i32_0 = arith.constant 0 : i32
    return %arg0, %c0_i32 : i32, i32
  }
  func.func @transform_3(%arg0: i32) -> (i32, i32) {
    %c0_i32 = arith.constant 0 : i32
    %c0_i32_0 = arith.constant 0 : i32
    %c0_i32_1 = arith.constant 0 : i32
    return %c0_i32, %c0_i32_0 : i32, i32
  }
  func.func @transform_4(%arg0: i32) -> (i32, i32) {
    %c0_i32 = arith.constant 0 : i32
    %c0_i32_0 = arith.constant 0 : i32
    %c0_i32_1 = arith.constant 0 : i32
    return %c0_i32, %c0_i32_0 : i32, i32
  }
  func.func @transform_5(%arg0: i32) -> (i32, i32) {
    %c0_i32 = arith.constant 0 : i32
    %c0_i32_0 = arith.constant 0 : i32
    %c0_i32_1 = arith.constant 0 : i32
    return %c0_i32, %c0_i32_0 : i32, i32
  }
  func.func @transform_6(%arg0: i32) -> (i32, i32) {
    %c0_i32 = arith.constant 0 : i32
    %c0_i32_0 = arith.constant 0 : i32
    %c0_i32_1 = arith.constant 0 : i32
    return %c0_i32, %c0_i32_0 : i32, i32
  }
  func.func @transform_7(%arg0: i32) -> (i32, i32) {
    %c0_i32 = arith.constant 0 : i32
    %c0_i32_0 = arith.constant 0 : i32
    return %arg0, %c0_i32 : i32, i32
  }
}

</mosaic_0001>

<sc_bundles>
// kernel: kernel.6.cloned.1.call-start
scs
__scs_entry_jumppad:
0x0: {  	(pc) =	sbr.rel $0x88, $3  }
0x1: {  	(tag) =	ssettag $0x0;
	lr =	simm.s32 $0x1  }
0x2: {  	[smem:$0x3F91] =	sst lr;
	_ =	strace $0xD0000000  }
0x3: {  	_ = 	snop  }
0x4: {  	_ = 	snop  }
0x5: {  	_ = 	snop  }
0x6: {  	_ = 	snop  }
0x7: {  	_ = 	snop  }
__scs_overlays_trampoline_lowered:
0x8: {  	[smem:$0x3FA0] =	sst s0  }
0x9: {  	[smem:$0x3FA1] =	sst s1  }
0xa: {  	[smem:$0x3FA2] =	sst s2  }
0xb: {  	[smem:$0x3FA3] =	sst s3  }
0xc: {  	[smem:$0x3FA4] =	sst s4  }
0xd: {  	[smem:$0x3FA5] =	sst s5  }
0xe: {  	[smem:$0x3FA6] =	sst s6  }
0xf: {  	[smem:$0x3FA7] =	sst s7  }
0x10: {  	[smem:$0x3FA8] =	sst s8  }
0x11: {  	[smem:$0x3FA9] =	sst s9;
	s0 =	simm.s32 @!p0 $0x0  }
0x12: {  	s1 =	sld [smem:$0x3F8F];
	s0 =	simm.s32 @p0 $0x1  }
0x13: {  	[smem:$0x3FAA] =	sst s0;
	s0 =	simm.s32 @!p1 $0x0  }
0x14: {  	s2 =	sld [smem:$0x3F8E];
	s0 =	simm.s32 @p1 $0x1  }
0x15: {  	[smem:$0x3FAB] =	sst s0;
	s0 =	simm.s32 @!p2 $0x0  }
0x16: {  	s3 =	sld [smem:$0x3FDB];
	s0 =	simm.s32 @p2 $0x1  }
0x17: {  	s4 =	simm.s32 $0x1BF5;
	[smem:$0x3FAD] =	sst s0  }
0x18: {  	s0 =	sld [smem:$0x3F90];
	_ =	swait.ge [sflag:s4], $0x0  }
0x19: {  	s7 =	sld [smem:$0x3F91]  }
0x1a: {  	s8 =	sadd.s32 $0xFFFFE003, lr  }
0x1b: {  	s9 =	sadd.s32 $0xFFFFFEF7, lr;
	s5 =	simm.s32 $0xFFFFFFFF;
	p2 =	slt.u32 s8, $0xFFFFF086  }
0x1c: {  	p1 =	slt.u32 s9, $0xF7A;
	s5 =	simm.s32 @!p2 $0x0  }
0x1d: {  	s5 =	simm.s32 @p1 $0x1;
	p0 =	seq.s32 s7, s2  }
0x1e: {  	s7 =	smul.u32 @!p0 $0xF7A, s2;
	p2 =	seq.s32 @!p0 s5, $0x0  }
0x1f: {  	s9 =	smul.u32 $0xF7A, s1;
	s8 =	simm.s32 @!p0 $0x1BF5;
	p2 =	por !p2, p0  }
0x20: {  	[sflag:s8] =	ssyncset.s32 @!p0 $0xFFFFF086;
	s6 =	sadd.s32 @!p0 s3, s7;
	s7 =	simm.s32 @!p0 $0x108  }
0x21: {  	s3 =	sadd.s32 s3, s9;
	s6 =	sadd.s32 @!p0 $0x88, s6;
	s7 =	simm.s32 @p2 $0x1082  }
0x22: {  	[simem:s7], [sflag:s8] =	dma.local @!p0 [hbm:s6], $0xF7A  }
0x23: {  	s9 =	sor.u32 $0xD0000000, s2;
	s6 =	simm.s32 $0x108;
	_ =	swait.ge @!p0 [sflag:s8], $0x0  }
0x24: {  	s3 =	sadd.s32 $0x88, s3;
	s6 =	simm.s32 @!p1 $0x1082;
	[sflag:s4] =	ssyncset.s32 $0xFFFFF086  }
0x25: {  	[simem:s6], [sflag:s4] =	dma.local [hbm:s3], $0xF7A  }
0x26: {  	[smem:$0x3F91] =	sst s1;
	(tag) =	ssettag s2;
	_ =	strace s9  }
0x27: {  	s1 =	sld [smem:$0x3FA1]  }
0x28: {  	s2 =	sld [smem:$0x3FA2]  }
0x29: {  	s4 =	sld [smem:$0x3FA4]  }
0x2a: {  	p0 =	seq.s32 s5, $0x0;
	s5 =	sld [smem:$0x3FA5]  }
0x2b: {  	s6 =	sld [smem:$0x3FA6]  }
0x2c: {  	s7 =	sld [smem:$0x3FA7]  }
0x2d: {  	s3 =	simm.s32 $0x108;
	s8 =	sld [smem:$0x3FA8]  }
0x2e: {  	s3 =	simm.s32 @!p0 $0x1082;
	s9 =	sld [smem:$0x3FA9]  }
0x2f: {  	lr =	sadd.s32 s0, s3;
	s0 =	sld [smem:$0x3FA0]  }
0x30: {  	s3 =	sld [smem:$0x3FA3]  }
0x31: {  	[smem:$0x3FAC] =	sst s10  }
0x32: {  	s10 =	sld [smem:$0x3FAA];
	_ =	sdelay $0x3  }
0x33: {  	p0 =	seq.s32 s10, $0x1;
	s10 =	sld [smem:$0x3FAC];
	_ =	sdelay $0x3  }
0x34: {  	[smem:$0x3FAC] =	sst s10  }
0x35: {  	s10 =	sld [smem:$0x3FAB];
	_ =	sdelay $0x3  }
0x36: {  	p1 =	seq.s32 s10, $0x1;
	s10 =	sld [smem:$0x3FAC];
	_ =	sdelay $0x3  }
0x37: {  	[smem:$0x3FAC] =	sst s10  }
0x38: {  	s10 =	sld [smem:$0x3FAD]  }
0x39: {  	_ = 	snop;
	(pc) =	sbr.ind lr, $3  }
0x3a: {  	_ = 	snop  }
0x3b: {  	_ = 	snop  }
0x3c: {  	p2 =	seq.s32 s10, $0x1;
	s10 =	sld [smem:$0x3FAC]  }
0x3d: {  	_ =	shalt  }
0x3e: {  	_ =	shalt  }
0x3f: {  	_ =	shalt  }
0x40: {  	_ =	shalt  }
0x41: {  	_ =	shalt  }
0x42: {  	_ =	shalt  }
0x43: {  	_ =	shalt  }
0x44: {  	_ =	shalt  }
0x45: {  	_ =	shalt  }
0x46: {  	_ =	shalt  }
0x47: {  	_ =	shalt  }
0x48: {  	_ =	shalt  }
0x49: {  	_ =	shalt  }
0x4a: {  	_ =	shalt  }
0x4b: {  	_ =	shalt  }
0x4c: {  	_ =	shalt  }
0x4d: {  	_ =	shalt  }
0x4e: {  	_ =	shalt  }
0x4f: {  	_ =	shalt  }
0x50: {  	_ =	shalt  }
0x51: {  	_ =	shalt  }
0x52: {  	_ =	shalt  }
0x53: {  	_ =	shalt  }
0x54: {  	_ =	shalt  }
0x55: {  	_ =	shalt  }
0x56: {  	_ =	shalt  }
0x57: {  	_ =	shalt  }
0x58: {  	_ =	shalt  }
0x59: {  	_ =	shalt  }
0x5a: {  	_ =	shalt  }
0x5b: {  	_ =	shalt  }
0x5c: {  	_ =	shalt  }
0x5d: {  	_ =	shalt  }
0x5e: {  	_ =	shalt  }
0x5f: {  	_ =	shalt  }
0x60: {  	_ =	shalt  }
0x61: {  	_ =	shalt  }
0x62: {  	_ =	shalt  }
0x63: {  	_ =	shalt  }
0x64: {  	_ =	shalt  }
0x65: {  	_ =	shalt  }
0x66: {  	_ =	shalt  }
0x67: {  	_ =	shalt  }
0x68: {  	_ =	shalt  }
0x69: {  	_ =	shalt  }
0x6a: {  	_ =	shalt  }
0x6b: {  	_ =	shalt  }
0x6c: {  	_ =	shalt  }
0x6d: {  	_ =	shalt  }
0x6e: {  	_ =	shalt  }
0x6f: {  	_ =	shalt  }
0x70: {  	_ =	shalt  }
0x71: {  	_ =	shalt  }
0x72: {  	_ =	shalt  }
0x73: {  	_ =	shalt  }
0x74: {  	_ =	shalt  }
0x75: {  	_ =	shalt  }
0x76: {  	_ =	shalt  }
0x77: {  	_ =	shalt  }
0x78: {  	_ =	shalt  }
0x79: {  	_ =	shalt  }
0x7a: {  	_ =	shalt  }
0x7b: {  	_ =	shalt  }
0x7c: {  	_ =	shalt  }
0x7d: {  	_ =	shalt  }
0x7e: {  	_ =	shalt  }
0x7f: {  	_ =	shalt  }
0x80: {  	_ =	shalt  }
0x81: {  	_ =	shalt  }
0x82: {  	_ =	shalt  }
0x83: {  	_ =	shalt  }
0x84: {  	_ =	shalt  }
0x85: {  	_ =	shalt  }
0x86: {  	_ =	shalt  }
0x87: {  	_ =	shalt  }
.Lfunc_end0:
.L_simem_size_0:
called_computation_lowered:
.L_overlay_start_0:
0x88: {  	s2 =	sld [smem:$0x3FD9]  }
0x89: {  	s3 =	sld [smem:$0x3FFE];
	_ =	sdelay $0x1  }
0x8a: {  	s1 =	srdreg.scid  }
0x8b: {  	s0 =	sand.u32 $0x1, s1  }
0x8c: {  	s17 =	sshll.u32 s0, $0xA;
	s2 =	sadd.s32 s3, s2  }
0x8d: {  	s2 =	sadd.s32 s2, s17  }
0x8e: {  	[smem:$0x3FB8] =	sst s2  }
0x8f: {  	_ = 	snop  }
0x90: {  	s2 =	sld [smem:$0x3FC8]  }
0x91: {  	s18 =	sld [smem:$0x3FD0];
	(tm) =	ssettm $0x1  }
0x92: {  	s4 =	sld [smem:$0x3FFB];
	_ =	sdelay $0x3  }
0x93: {  	_ =	strace s4  }
0x94: {  	s4 =	sld [smem:$0x3FFC];
	_ =	sdelay $0x3  }
0x95: {  	_ =	strace s4  }
0x96: {  	s4 =	sld [smem:$0x3FFD];
	_ =	sdelay $0x3  }
0x97: {  	_ =	strace s4  }
0x98: {  	_ =	strace $0x8FFFFFFF  }
0x99: {  	s19 =	sld [smem:$0x3FDB];
	_ =	sdelay $0x1  }
0x9a: {  	s5 =	simm.s32 $_scs_section_size  }
0x9b: {  	s6 =	simm.s32 $_size__tile_overlayer_lowered;
	s7 =	simm.s32 $_tile_overlayer_lowered  }
0x9c: {  	s22 =	simm.s32 $0x1BFF;
	s21 =	sshll.u32 s7, $0x1;
	s4 =	sadd.s32 s5, s19  }
0x9d: {  	s8 =	simm.s32 $0x0;
	s20 =	sshll.u32 s6, $0x1;
	s6 =	sadd.s32 s21, s4  }
0x9e: {  	[timem:s8], [sflag:s22] =	dma.local [hbm:s6], s20  }
0x9f: {  	_ =	swait.ge [sflag:s22], s20  }
0xa0: {  	s5 =	ssub.s32 $0x0, s20;
	[sflag:s22] =	ssyncset.done $0x0  }
0xa1: {  	[sflag:s22] =	ssyncadd.s32 s5;
	_ =	sdelay $0x1  }
0xa2: {  	s23 =	simm.s32 $0x1B8B  }
0xa3: {  	_ =	swait.ge [sflag:s23], $0x1  }
0xa4: {  	[sflag:s23] =	ssyncset.done $0x0  }
0xa5: {  	s25 =	simm.s32 $0x1B8E;
	s24 =	sld [smem:$0x3FFE];
	[sflag:s23] =	ssyncadd.s32 $0xFFFFFFFF  }
0xa6: {  	s26 =	simm.s32 $execute0_lowered;
	[smem:$0x3FD2] =	sst s25  }
0xa7: {  	s6 =	sshll.u32 s26, $0x1;
	_ =	strace $0x80000046;
	[dreg:$0x1] =	wrdreg $0xFFFFFFFF  }
0xa8: {  	s28 =	simm.s32 $_size_execute0_lowered;
	s4 =	sadd.s32 s4, s6;
	[dreg:$0x0] =	wrdreg $0x0  }
0xa9: {  	s6 =	sshll.u32 s28, $0x1;
	[dreg:$0x2] =	wrdreg s4  }
0xaa: {  	[dreg:$0x3] =	wrdreg s6  }
0xab: {  	[dreg:$0x4] =	wrdreg $0xC0  }
0xac: {  	_ =	task [dreg:s8], $0x5FFFF  }
0xad: {  	[dreg:$0x1] =	wrdreg $0xFFFFFFFF  }
0xae: {  	[dreg:$0x0] =	wrdreg $0x60  }
0xaf: {  	[dreg:$0x2] =	wrdreg s24  }
0xb0: {  	[dreg:$0x3] =	wrdreg s2  }
0xb1: {  	[dreg:$0x4] =	wrdreg s18  }
0xb2: {  	[dreg:$0x5] =	wrdreg $0x68800  }
0xb3: {  	[dreg:$0x6] =	wrdreg $0x9  }
0xb4: {  	_ =	task.clear_ibuf [dreg:s8], $0x7FFFF;
	_ =	strace $0x90000046  }
0xb5: {  	s29 =	simm.s32 $0x9;
	_ =	strace $0x80000048  }
0xb6: {  	_ =	swait.ge [sflag:s29], $0x1  }
0xb7: {  	[sflag:s29] =	ssyncadd.s32 $0xFFFFFFFF  }
0xb8: {  	_ =	strace $0x90000048  }
0xb9: {  	_ =	sfence  }
0xba: {  	s30 =	sld [smem:$0x0];
	_ =	sdelay $0x2  }
0xbb: {  	s31 =	sshll.u32 s1, $0xD;
	s1 =	sshrl.u32 s1, $0x2  }
0xbc: {  	s3 =	sand.u32 $0x4000, s31;
	s1 =	sadd.s32 s1, s30  }
0xbd: {  	s0 =	sor.u32 s3, s0;
	s1 =	sshll.u32 s1, $0x11  }
0xbe: {  	s0 =	sor.u32 s1, s0  }
0xbf: {  	s0 =	sadd.s32 $0x8F2B, s0  }
0xc0: {  	[sflag:s0] =	ssyncadd.remote.s32 $0x1  }
0xc1: {  	_ =	sfence.sel $0xFFFF  }
0xc2: {  	[dreg:$0x0] =	wrdreg $0xFFFFFFFF;
	(pc) =	sbr.abs _section_cstart, $3  }
0xc3: {  	[dreg:$0x1] =	wrdreg $0xFFFFFFFF  }
0xc4: {  	_ =	task.clear_ibuf [dreg:s8], $0x2FFFF;
	_ =	strace $0x9FFFFFFF  }
0xc5: {  	(tm) =	ssettm $0x7FFFFFFF  }
tec
execute0_lowered:
.L_overlay_start_1:
0x0: {  	(tag) =	ssettag $0x1  }
0x1: {  	s5 =	rddreg [dreg:$0x0]  }
0x2: {  	s0 =	rddreg [dreg:$0x1]  }
0x3: {  	s12 =	rddreg [dreg:$0x2];
	s1 =	srdreg.scid  }
0x4: {  	s3 =	rddreg [dreg:$0x3];
	s2 =	stileid.u32  }
0x5: {  	s4 =	simm.s32 $0x0;
	s18 =	simm.s32 $0x4100;
	s19 =	simm.s32 $0x0  }
0x6: {  	s13 =	sand.u32 $0x1, s1;
	s1 =	rddreg [dreg:$0x4];
	s7 =	smul.u32 $0x14000, s2  }
0x7: {  	[smem:$0x7FF] =	sst s4;
	s8 =	sshll.u32 s2, $0x5;
	s25 =	smul.u32 $0x50000, s2  }
0x8: {  	s30 =	sshll.u32 s2, $0x1;
	s6 =	smul.u32 $0x140000, s13;
	_ =	strace $0x80000047  }
0x9: {  	s14 =	sadd.s32 s8, s5;
	s26 =	ssub.s32 $0x2, s13;
	s17 =	sshll.u32 s13, $0x4  }
0xa: {  	s28 =	sshrl.u32 s25, $0x2;
	s29 =	sshrl.u32 s26, $0x1;
	s6 =	sadd.s32 s7, s6  }
0xb: {  	s31 =	sadd.s32 s17, s14;
	s17 =	simm.s32 $0x2;
	s6 =	sshrl.u32 s6, $0x3  }
0xc: {  	s15 =	ssub.s32 s26, s29;
	s14 =	sadd.s32 $0x3200, s31;
	s11 =	sadd.s32 s6, s5  }
0xd: {  	s5 =	sadd.s32 s28, s3;
	s6 =	sor.u32 s13, s30;
	s13 =	smax.u32 s15, $0x1  }
0xe: {  	s15 =	sadd.s32 $0xD000, s31;
	s7 =	sadd.s32 $0x4000, s5;
	s16 =	smul.u32 $0x4F0, s6  }
0xf: {  	s8 =	sadd.s32 $0x8000, s5;
	s9 =	sadd.s32 $0xC000, s5;
	s10 =	sadd.s32 $0x10000, s5  }
0x10: {  	v0 =	vimm.f32 $0.0e+00;
	s11 =	sadd.s32 $0x16E00, s11;
	s12 =	sadd.s32 s12, s16;
	s16 =	simm.s32 $0x100  }
.LBB2_1:
0x11: {  	s20 =	simm.s32 $0x0;
	s21 =	simm.s32 $0x200  }
.LBB2_2:
0x12: {  	p0 =	sne.s32 s21, $0xFE00;
	[tilespmem:s20+$0x170] =	vst v0  }
0x13: {  	[tilespmem:s20+$0x100] =	vst v0  }
0x14: {  	[tilespmem:s20+$0x110] =	vst v0  }
.Ltmp0:
0x15: {  	[tilespmem:s20+$0x120] =	vst v0;
	(pc) =	sbr.rel @p0 .LBB2_2-.Ltmp0, $4  }
0x16: {  	[tilespmem:s20+$0x130] =	vst v0  }
0x17: {  	[tilespmem:s20+$0x140] =	vst v0  }
0x18: {  	[tilespmem:s20+$0x150] =	vst v0  }
0x19: {  	[tilespmem:s20+$0x160] =	vst v0;
	s20 =	sshra.s32 s21, $0x2;
	s21 =	sadd.s32 $0x200, s21  }
0x1a: {  	[tilespmem:s20+$0x170] =	vst v0  }
0x1b: {  	[tilespmem:s20+$0x100] =	vst v0  }
0x1c: {  	[tilespmem:s20+$0x110] =	vst v0  }
0x1d: {  	[tilespmem:s20+$0x120] =	vst v0  }
0x1e: {  	[tilespmem:s20+$0x130] =	vst v0  }
0x1f: {  	[tilespmem:s20+$0x140] =	vst v0  }
0x20: {  	[tilespmem:s20+$0x150] =	vst v0  }
0x21: {  	[tilespmem:s20+$0x160] =	vst v0  }
0x22: {  	[spmem:s5] =	stream.linear.scatter [tilespmem:s16], [sflag:$0x2], $0x4000, $0x38;
	[tilespmem:$0x1A880] =	vst v63  }
0x23: {  	_ =	swait.ge [sflag:s17], $0x4000  }
0x24: {  	[sflag:s17] =	ssyncset.done $0x0  }
0x25: {  	[sflag:s17] =	ssyncadd.s32 $0xFFFFC000  }
0x26: {  	[spmem:s7] =	stream.linear.scatter [tilespmem:s16], [sflag:$0x2], $0x4000, $0x38;
	[tilespmem:$0x1A880] =	vst v63  }
0x27: {  	_ =	swait.ge [sflag:s17], $0x4000  }
0x28: {  	[sflag:s17] =	ssyncset.done $0x0  }
0x29: {  	[sflag:s17] =	ssyncadd.s32 $0xFFFFC000  }
0x2a: {  	[spmem:s8] =	stream.linear.scatter [tilespmem:s16], [sflag:$0x2], $0x4000, $0x38;
	[tilespmem:$0x1A880] =	vst v63  }
0x2b: {  	_ =	swait.ge [sflag:s17], $0x4000  }
0x2c: {  	[sflag:s17] =	ssyncset.done $0x0  }
0x2d: {  	[sflag:s17] =	ssyncadd.s32 $0xFFFFC000  }
0x2e: {  	[spmem:s9] =	stream.linear.scatter [tilespmem:s16], [sflag:$0x2], $0x4000, $0x38;
	[tilespmem:$0x1A880] =	vst v63  }
0x2f: {  	_ =	swait.ge [sflag:s17], $0x4000  }
0x30: {  	[sflag:s17] =	ssyncset.done $0x0  }
0x31: {  	[sflag:s17] =	ssyncadd.s32 $0xFFFFC000  }
0x32: {  	[spmem:s10] =	stream.linear.scatter [tilespmem:s16], [sflag:$0x2], $0x4000, $0x38;
	[tilespmem:$0x1A880] =	vst v63  }
0x33: {  	_ =	swait.ge [sflag:s17], $0x4000  }
0x34: {  	[sflag:s17] =	ssyncset.done $0x0  }
0x35: {  	s20 =	simm.s32 $0x40;
	s21 =	simm.s32 $0x0;
	[sflag:s17] =	ssyncadd.s32 $0xFFFFC000  }
.LBB2_4:
0x36: {  	p0 =	sne.s32 s20, $0x9C00;
	[tilespmem:s21+$0x4100] =	vst v0;
	s21 =	smov.u32 s20;
	s20 =	sadd.s32 $0x40, s20  }
.Ltmp1:
0x37: {  	(pc) =	sbr.rel @p0 .LBB2_4-.Ltmp1, $2  }
0x38: {  	_ =	sdelay $0x2  }
0x39: {  	s21 =	sshra.s32 s21, $0x2  }
0x3a: {  	[tilespmem:s21+$0x4100] =	vst v0  }
0x3b: {  	s20 =	simm.s32 $0x0;
	s21 =	smov.u32 s6;
	[bflag:$0x0] =	sbarrier.arrive $0xFFFF  }
.LBB2_6:
0x3c: {  	p0 =	sgt.u32 s21, $0x9C3  }
0x3d: {  	s22 =	sadd.s32 @!p0 s20, s15;
	s23 =	simm.s32 @!p0 $0x0  }
0x3e: {  	[tilespmem:s23], [sflag:$0x2] =	stream.linear.gather @!p0 [hbm4b:s22+s23], $0x80, $0x38;
	[tilespmem:$0x1A880] =	vst v63  }
0x3f: {  	s22 =	simm.s32 @!p0 $0x2  }
0x40: {  	_ =	swait.ge @!p0 [sflag:s22], $0x80  }
0x41: {  	[sflag:s22] =	ssyncset.done @!p0 $0x0  }
0x42: {  	s24 =	sadd.s32 @!p0 s20, s14;
	s25 =	simm.s32 @!p0 $0x80;
	[sflag:s22] =	ssyncadd.s32 @!p0 $0xFFFFFF80  }
0x43: {  	[tilespmem:s25], [sflag:$0x2] =	stream.linear.gather @!p0 [hbm4b:s24+s23], $0x80, $0x38;
	[tilespmem:$0x1A880] =	vst v63  }
0x44: {  	_ =	swait.ge @!p0 [sflag:s22], $0x80  }
0x45: {  	[sflag:s22] =	ssyncset.done @!p0 $0x0  }
0x46: {  	s24 =	simm.s32 @!p0 $0x100;
	[sflag:s22] =	ssyncadd.s32 @!p0 $0xFFFFFF80  }
0x47: {  	[tilespmem:s24], [sflag:$0x1] =	stream.indirect.gather @!p0 [hbm4b:s0+s25], $0x80, s23, s25, $0xb8;
	[tilespmem:$0x1A880] =	vst v63  }
0x48: {  	s23 =	simm.s32 @!p0 $0x1  }
0x49: {  	_ =	swait.ge @!p0 [sflag:s23], $0x4000  }
0x4a: {  	[sflag:s23] =	ssyncset.done @!p0 $0x0  }
0x4b: {  	[sflag:s23] =	ssyncadd.s32 @!p0 $0xFFFFC000  }
0x4c: {  	[spmem:s3] =	stream.indirect.scatter.add.f32 @!p0 [tilespmem:s24], [sflag:$0x2], $0x80, s25, s25, $0xb8;
	[tilespmem:$0x1A880] =	vst v63  }
0x4d: {  	_ =	swait.ge @!p0 [sflag:s22], $0x4000  }
0x4e: {  	[sflag:s22] =	ssyncset.done @!p0 $0x0  }
0x4f: {  	[sflag:s22] =	ssyncadd.s32 @!p0 $0xFFFFC000  }
0x50: {  	v1 =	vld @!p0 [tilespmem:$0x80];
	_ =	sdelay $0x6  }
0x51: {  	v2 =	vimm.f32 @!p0 $1.000000000e+00;
	s22 =	simm.s32 @!p0 $0x4100  }
0x52: {  	[tilespmem:v1+s22+$0x0] =	vst.idx.add.f32.msk @!p0 $0xffff, v2  }
0x53: {  	v1 =	vld @!p0 [tilespmem:$0x90];
	_ =	sdelay $0x7  }
0x54: {  	[tilespmem:v1+s22+$0x0] =	vst.idx.add.f32.msk @!p0 $0xffff, v2  }
0x55: {  	v1 =	vld @!p0 [tilespmem:$0xA0];
	_ =	sdelay $0x7  }
0x56: {  	[tilespmem:v1+s22+$0x0] =	vst.idx.add.f32.msk @!p0 $0xffff, v2  }
0x57: {  	v1 =	vld @!p0 [tilespmem:$0xB0];
	_ =	sdelay $0x7  }
0x58: {  	[tilespmem:v1+s22+$0x0] =	vst.idx.add.f32.msk @!p0 $0xffff, v2  }
0x59: {  	v1 =	vld @!p0 [tilespmem:$0xC0];
	_ =	sdelay $0x7  }
0x5a: {  	[tilespmem:v1+s22+$0x0] =	vst.idx.add.f32.msk @!p0 $0xffff, v2  }
0x5b: {  	v1 =	vld @!p0 [tilespmem:$0xD0];
	_ =	sdelay $0x7  }
0x5c: {  	[tilespmem:v1+s22+$0x0] =	vst.idx.add.f32.msk @!p0 $0xffff, v2  }
0x5d: {  	v1 =	vld @!p0 [tilespmem:$0xE0];
	_ =	sdelay $0x7  }
0x5e: {  	[tilespmem:v1+s22+$0x0] =	vst.idx.add.f32.msk @!p0 $0xffff, v2  }
0x5f: {  	v1 =	vld @!p0 [tilespmem:$0xF0];
	_ =	sdelay $0x1  }
0x60: {  	s20 =	sadd.s32 $0x200, s20  }
0x61: {  	p1 =	sne.s32 s20, $0x9E00  }
.Ltmp2:
0x62: {  	_ = 	snop;
	(pc) =	sbr.rel @p1 .LBB2_6-.Ltmp2, $2  }
0x63: {  	_ =	sdelay $0x2  }
0x64: {  	s21 =	sadd.s32 $0x20, s21;
	[tilespmem:v1+s22+$0x0] =	vst.idx.add.f32.msk @!p0 $0xffff, v2  }
0x65: {  	s20 =	sshll.u32 s2, $0x6  }
0x66: {  	[bflag:$0x0] =	sbarrier.arrive $0xFFFF;
	s21 =	sshrl.u32 s5, $0x3;
	s20 =	sor.u32 $0x1C02, s20  }
0x67: {  	[hbm:s11], [sflag:s20] =	dma.local [spmem:s21], $0x2800  }
0x68: {  	s19 =	sadd.s32 $0x1, s19;
	_ =	swait.ge [sflag:s17], $0x2800  }
0x69: {  	p0 =	sne.s32 s19, s13;
	[sflag:s17] =	ssyncset.done $0x0  }
.Ltmp3:
0x6a: {  	[sflag:s17] =	ssyncadd.s32 $0xFFFFD800;
	(pc) =	sbr.rel @p0 .LBB2_1-.Ltmp3, $4  }
0x6b: {  	[hbm4b:s12+s4] =	stream.linear.scatter [tilespmem:s18], [sflag:$0x2], $0x2780, $0x38;
	[tilespmem:$0x1A880] =	vst v63  }
0x6c: {  	_ =	swait.ge [sflag:s17], $0x2780  }
0x6d: {  	[sflag:s17] =	ssyncset.done $0x0  }
0x6e: {  	[sflag:s17] =	ssyncadd.s32 $0xFFFFD880  }
0x6f: {  	_ =	sfence.sel $0x180000  }
0x70: {  	[bflag:$0x0] =	sbarrier.arrive $0xFFFF  }
0x71: {  	p0 =	sne.s32 s2, $0x0;
	_ =	strace $0x90000047  }
0x72: {  	s0 =	sadd.s32 @!p0 $0x100000, s1;
	[bflag:$0x2] =	sbarrier.arrive $0xFFFF  }
0x73: {  	[sflag:s0] =	ssyncadd.tile.s32 @!p0 $0x1;
	_ =	shalt  }
.Lfunc_end2:
_tile_overlayer_lowered:
.L_overlay_start_2:
0x74: {  	(tag) =	ssettag $0x2  }
0x75: {  	s0 =	rddreg [dreg:$0x0];
	s2 =	stileid.u32  }
0x76: {  	s1 =	rddreg [dreg:$0x1];
	p0 =	sne.s32 s2, $0x0  }
0x77: {  	s3 =	rddreg [dreg:$0x2];
	[bflag:$0x3] =	sbarrier.arrive $0xFFFF;
	s2 =	simm.s32 @!p0 $0x1C02  }
0x78: {  	[timem:s3], [sflag:s2] =	dma.local @!p0 [hbm:s0], s1  }
0x79: {  	s0 =	simm.s32 @!p0 $0x2  }
0x7a: {  	_ =	swait.ge @!p0 [sflag:s0], s1  }
0x7b: {  	s1 =	ssub.s32 @!p0 $0x0, s1;
	[sflag:s0] =	ssyncset.done @!p0 $0x0  }
0x7c: {  	[sflag:s0] =	ssyncadd.s32 @!p0 s1  }
0x7d: {  	[bflag:$0x3] =	sbarrier.arrive $0xFFFF  }
0x7e: {  	_ =	shalt  }

// kernel: kernel.9.cloned.1.call-start
scs
__scs_entry_jumppad:
0x0: {  	(pc) =	sbr.rel $0x88, $3  }
0x1: {  	(tag) =	ssettag $0x0;
	lr =	simm.s32 $0x1  }
0x2: {  	[smem:$0x3F91] =	sst lr;
	_ =	strace $0xD0000000  }
0x3: {  	_ = 	snop  }
0x4: {  	_ = 	snop  }
0x5: {  	_ = 	snop  }
0x6: {  	_ = 	snop  }
0x7: {  	_ = 	snop  }
__scs_overlays_trampoline_lowered:
0x8: {  	[smem:$0x3FA0] =	sst s0  }
0x9: {  	[smem:$0x3FA1] =	sst s1  }
0xa: {  	[smem:$0x3FA2] =	sst s2  }
0xb: {  	[smem:$0x3FA3] =	sst s3  }
0xc: {  	[smem:$0x3FA4] =	sst s4  }
0xd: {  	[smem:$0x3FA5] =	sst s5  }
0xe: {  	[smem:$0x3FA6] =	sst s6  }
0xf: {  	[smem:$0x3FA7] =	sst s7  }
0x10: {  	[smem:$0x3FA8] =	sst s8  }
0x11: {  	[smem:$0x3FA9] =	sst s9;
	s0 =	simm.s32 @!p0 $0x0  }
0x12: {  	s1 =	sld [smem:$0x3F8F];
	s0 =	simm.s32 @p0 $0x1  }
0x13: {  	[smem:$0x3FAA] =	sst s0;
	s0 =	simm.s32 @!p1 $0x0  }
0x14: {  	s2 =	sld [smem:$0x3F8E];
	s0 =	simm.s32 @p1 $0x1  }
0x15: {  	[smem:$0x3FAB] =	sst s0;
	s0 =	simm.s32 @!p2 $0x0  }
0x16: {  	s3 =	sld [smem:$0x3FDB];
	s0 =	simm.s32 @p2 $0x1  }
0x17: {  	s4 =	simm.s32 $0x1BF5;
	[smem:$0x3FAD] =	sst s0  }
0x18: {  	s0 =	sld [smem:$0x3F90];
	_ =	swait.ge [sflag:s4], $0x0  }
0x19: {  	s7 =	sld [smem:$0x3F91]  }
0x1a: {  	s8 =	sadd.s32 $0xFFFFE003, lr  }
0x1b: {  	s9 =	sadd.s32 $0xFFFFFEF7, lr;
	s5 =	simm.s32 $0xFFFFFFFF;
	p2 =	slt.u32 s8, $0xFFFFF086  }
0x1c: {  	p1 =	slt.u32 s9, $0xF7A;
	s5 =	simm.s32 @!p2 $0x0  }
0x1d: {  	s5 =	simm.s32 @p1 $0x1;
	p0 =	seq.s32 s7, s2  }
0x1e: {  	s7 =	smul.u32 @!p0 $0xF7A, s2;
	p2 =	seq.s32 @!p0 s5, $0x0  }
0x1f: {  	s9 =	smul.u32 $0xF7A, s1;
	s8 =	simm.s32 @!p0 $0x1BF5;
	p2 =	por !p2, p0  }
0x20: {  	[sflag:s8] =	ssyncset.s32 @!p0 $0xFFFFF086;
	s6 =	sadd.s32 @!p0 s3, s7;
	s7 =	simm.s32 @!p0 $0x108  }
0x21: {  	s3 =	sadd.s32 s3, s9;
	s6 =	sadd.s32 @!p0 $0x88, s6;
	s7 =	simm.s32 @p2 $0x1082  }
0x22: {  	[simem:s7], [sflag:s8] =	dma.local @!p0 [hbm:s6], $0xF7A  }
0x23: {  	s9 =	sor.u32 $0xD0000000, s2;
	s6 =	simm.s32 $0x108;
	_ =	swait.ge @!p0 [sflag:s8], $0x0  }
0x24: {  	s3 =	sadd.s32 $0x88, s3;
	s6 =	simm.s32 @!p1 $0x1082;
	[sflag:s4] =	ssyncset.s32 $0xFFFFF086  }
0x25: {  	[simem:s6], [sflag:s4] =	dma.local [hbm:s3], $0xF7A  }
0x26: {  	[smem:$0x3F91] =	sst s1;
	(tag) =	ssettag s2;
	_ =	strace s9  }
0x27: {  	s1 =	sld [smem:$0x3FA1]  }
0x28: {  	s2 =	sld [smem:$0x3FA2]  }
0x29: {  	s4 =	sld [smem:$0x3FA4]  }
0x2a: {  	p0 =	seq.s32 s5, $0x0;
	s5 =	sld [smem:$0x3FA5]  }
0x2b: {  	s6 =	sld [smem:$0x3FA6]  }
0x2c: {  	s7 =	sld [smem:$0x3FA7]  }
0x2d: {  	s3 =	simm.s32 $0x108;
	s8 =	sld [smem:$0x3FA8]  }
0x2e: {  	s3 =	simm.s32 @!p0 $0x1082;
	s9 =	sld [smem:$0x3FA9]  }
0x2f: {  	lr =	sadd.s32 s0, s3;
	s0 =	sld [smem:$0x3FA0]  }
0x30: {  	s3 =	sld [smem:$0x3FA3]  }
0x31: {  	[smem:$0x3FAC] =	sst s10  }
0x32: {  	s10 =	sld [smem:$0x3FAA];
	_ =	sdelay $0x3  }
0x33: {  	p0 =	seq.s32 s10, $0x1;
	s10 =	sld [smem:$0x3FAC];
	_ =	sdelay $0x3  }
0x34: {  	[smem:$0x3FAC] =	sst s10  }
0x35: {  	s10 =	sld [smem:$0x3FAB];
	_ =	sdelay $0x3  }
0x36: {  	p1 =	seq.s32 s10, $0x1;
	s10 =	sld [smem:$0x3FAC];
	_ =	sdelay $0x3  }
0x37: {  	[smem:$0x3FAC] =	sst s10  }
0x38: {  	s10 =	sld [smem:$0x3FAD]  }
0x39: {  	_ = 	snop;
	(pc) =	sbr.ind lr, $3  }
0x3a: {  	_ = 	snop  }
0x3b: {  	_ = 	snop  }
0x3c: {  	p2 =	seq.s32 s10, $0x1;
	s10 =	sld [smem:$0x3FAC]  }
0x3d: {  	_ =	shalt  }
0x3e: {  	_ =	shalt  }
0x3f: {  	_ =	shalt  }
0x40: {  	_ =	shalt  }
0x41: {  	_ =	shalt  }
0x42: {  	_ =	shalt  }
0x43: {  	_ =	shalt  }
0x44: {  	_ =	shalt  }
0x45: {  	_ =	shalt  }
0x46: {  	_ =	shalt  }
0x47: {  	_ =	shalt  }
0x48: {  	_ =	shalt  }
0x49: {  	_ =	shalt  }
0x4a: {  	_ =	shalt  }
0x4b: {  	_ =	shalt  }
0x4c: {  	_ =	shalt  }
0x4d: {  	_ =	shalt  }
0x4e: {  	_ =	shalt  }
0x4f: {  	_ =	shalt  }
0x50: {  	_ =	shalt  }
0x51: {  	_ =	shalt  }
0x52: {  	_ =	shalt  }
0x53: {  	_ =	shalt  }
0x54: {  	_ =	shalt  }
0x55: {  	_ =	shalt  }
0x56: {  	_ =	shalt  }
0x57: {  	_ =	shalt  }
0x58: {  	_ =	shalt  }
0x59: {  	_ =	shalt  }
0x5a: {  	_ =	shalt  }
0x5b: {  	_ =	shalt  }
0x5c: {  	_ =	shalt  }
0x5d: {  	_ =	shalt  }
0x5e: {  	_ =	shalt  }
0x5f: {  	_ =	shalt  }
0x60: {  	_ =	shalt  }
0x61: {  	_ =	shalt  }
0x62: {  	_ =	shalt  }
0x63: {  	_ =	shalt  }
0x64: {  	_ =	shalt  }
0x65: {  	_ =	shalt  }
0x66: {  	_ =	shalt  }
0x67: {  	_ =	shalt  }
0x68: {  	_ =	shalt  }
0x69: {  	_ =	shalt  }
0x6a: {  	_ =	shalt  }
0x6b: {  	_ =	shalt  }
0x6c: {  	_ =	shalt  }
0x6d: {  	_ =	shalt  }
0x6e: {  	_ =	shalt  }
0x6f: {  	_ =	shalt  }
0x70: {  	_ =	shalt  }
0x71: {  	_ =	shalt  }
0x72: {  	_ =	shalt  }
0x73: {  	_ =	shalt  }
0x74: {  	_ =	shalt  }
0x75: {  	_ =	shalt  }
0x76: {  	_ =	shalt  }
0x77: {  	_ =	shalt  }
0x78: {  	_ =	shalt  }
0x79: {  	_ =	shalt  }
0x7a: {  	_ =	shalt  }
0x7b: {  	_ =	shalt  }
0x7c: {  	_ =	shalt  }
0x7d: {  	_ =	shalt  }
0x7e: {  	_ =	shalt  }
0x7f: {  	_ =	shalt  }
0x80: {  	_ =	shalt  }
0x81: {  	_ =	shalt  }
0x82: {  	_ =	shalt  }
0x83: {  	_ =	shalt  }
0x84: {  	_ =	shalt  }
0x85: {  	_ =	shalt  }
0x86: {  	_ =	shalt  }
0x87: {  	_ =	shalt  }
.Lfunc_end0:
.L_simem_size_0:
called_computation.1_lowered:
.L_overlay_start_0:
0x88: {  	s2 =	sld [smem:$0x3FD9]  }
0x89: {  	s3 =	sld [smem:$0x3FFE];
	_ =	sdelay $0x1  }
0x8a: {  	s1 =	srdreg.scid  }
0x8b: {  	s0 =	sand.u32 $0x1, s1  }
0x8c: {  	s17 =	sshll.u32 s0, $0xA;
	s2 =	sadd.s32 s3, s2  }
0x8d: {  	s2 =	sadd.s32 s2, s17  }
0x8e: {  	[smem:$0x3FB8] =	sst s2  }
0x8f: {  	_ = 	snop  }
0x90: {  	s2 =	sld [smem:$0x3FD0];
	(tm) =	ssettm $0x1  }
0x91: {  	s18 =	sld [smem:$0x3FFB];
	_ =	sdelay $0x3  }
0x92: {  	_ =	strace s18  }
0x93: {  	s3 =	sld [smem:$0x3FFC];
	_ =	sdelay $0x3  }
0x94: {  	_ =	strace s3  }
0x95: {  	s3 =	sld [smem:$0x3FFD];
	_ =	sdelay $0x3  }
0x96: {  	_ =	strace s3  }
0x97: {  	_ =	strace $0x8FFFFFFF  }
0x98: {  	s19 =	sld [smem:$0x3FDB];
	_ =	sdelay $0x1  }
0x99: {  	s4 =	simm.s32 $_scs_section_size  }
0x9a: {  	s5 =	simm.s32 $_size__tile_overlayer_lowered;
	s6 =	simm.s32 $_tile_overlayer_lowered  }
0x9b: {  	s22 =	simm.s32 $0x1BFF;
	s21 =	sshll.u32 s6, $0x1;
	s3 =	sadd.s32 s4, s19  }
0x9c: {  	s7 =	simm.s32 $0x0;
	s20 =	sshll.u32 s5, $0x1;
	s5 =	sadd.s32 s21, s3  }
0x9d: {  	[timem:s7], [sflag:s22] =	dma.local [hbm:s5], s20  }
0x9e: {  	_ =	swait.ge [sflag:s22], s20  }
0x9f: {  	s4 =	ssub.s32 $0x0, s20;
	[sflag:s22] =	ssyncset.done $0x0  }
0xa0: {  	[sflag:s22] =	ssyncadd.s32 s4;
	_ =	sdelay $0x1  }
0xa1: {  	s23 =	simm.s32 $0x1B8B  }
0xa2: {  	_ =	swait.ge [sflag:s23], $0x1  }
0xa3: {  	[sflag:s23] =	ssyncset.done $0x0  }
0xa4: {  	s25 =	simm.s32 $0x1B8E;
	s24 =	sld [smem:$0x3FFE];
	[sflag:s23] =	ssyncadd.s32 $0xFFFFFFFF  }
0xa5: {  	s26 =	simm.s32 $execute0_lowered;
	[smem:$0x3FD2] =	sst s25  }
0xa6: {  	s5 =	sshll.u32 s26, $0x1;
	_ =	strace $0x80000049;
	[dreg:$0x1] =	wrdreg $0xFFFFFFFF  }
0xa7: {  	s28 =	simm.s32 $_size_execute0_lowered;
	s3 =	sadd.s32 s3, s5;
	[dreg:$0x0] =	wrdreg $0x0  }
0xa8: {  	s5 =	sshll.u32 s28, $0x1;
	[dreg:$0x2] =	wrdreg s3  }
0xa9: {  	[dreg:$0x3] =	wrdreg s5  }
0xaa: {  	[dreg:$0x4] =	wrdreg $0xC0  }
0xab: {  	_ =	task [dreg:s7], $0x5FFFF  }
0xac: {  	[dreg:$0x1] =	wrdreg $0xFFFFFFFF  }
0xad: {  	[dreg:$0x0] =	wrdreg $0x60  }
0xae: {  	[dreg:$0x2] =	wrdreg s24  }
0xaf: {  	[dreg:$0x3] =	wrdreg s2  }
0xb0: {  	[dreg:$0x4] =	wrdreg $0x41000  }
0xb1: {  	[dreg:$0x5] =	wrdreg $0x9  }
0xb2: {  	_ =	task.clear_ibuf [dreg:s7], $0x6FFFF;
	_ =	strace $0x90000049  }
0xb3: {  	s29 =	simm.s32 $0x9;
	_ =	strace $0x8000004B  }
0xb4: {  	_ =	swait.ge [sflag:s29], $0x1  }
0xb5: {  	[sflag:s29] =	ssyncadd.s32 $0xFFFFFFFF  }
0xb6: {  	_ =	strace $0x9000004B  }
0xb7: {  	_ =	sfence  }
0xb8: {  	s30 =	sld [smem:$0x0];
	_ =	sdelay $0x2  }
0xb9: {  	s31 =	sshll.u32 s1, $0xD;
	s1 =	sshrl.u32 s1, $0x2  }
0xba: {  	s3 =	sand.u32 $0x4000, s31;
	s1 =	sadd.s32 s1, s30  }
0xbb: {  	s0 =	sor.u32 s3, s0;
	s1 =	sshll.u32 s1, $0x11  }
0xbc: {  	s0 =	sor.u32 s1, s0  }
0xbd: {  	s0 =	sadd.s32 $0x8F2B, s0  }
0xbe: {  	[sflag:s0] =	ssyncadd.remote.s32 $0x1  }
0xbf: {  	_ =	sfence.sel $0xFFFF  }
0xc0: {  	[dreg:$0x0] =	wrdreg $0xFFFFFFFF;
	(pc) =	sbr.abs _section_cstart, $3  }
0xc1: {  	[dreg:$0x1] =	wrdreg $0xFFFFFFFF  }
0xc2: {  	_ =	task.clear_ibuf [dreg:s7], $0x2FFFF;
	_ =	strace $0x9FFFFFFF  }
0xc3: {  	(tm) =	ssettm $0x7FFFFFFF  }
tec
execute0_lowered:
.L_overlay_start_1:
0x0: {  	(tag) =	ssettag $0x1  }
0x1: {  	s5 =	rddreg [dreg:$0x0]  }
0x2: {  	s1 =	rddreg [dreg:$0x1]  }
0x3: {  	s2 =	rddreg [dreg:$0x2]  }
0x4: {  	s3 =	srdreg.scid;
	s0 =	rddreg [dreg:$0x3]  }
0x5: {  	s4 =	simm.s32 $0x0;
	s11 =	sand.u32 $0x1, s3;
	s3 =	stileid.u32  }
0x6: {  	s16 =	simm.s32 $0x2;
	[smem:$0x7FF] =	sst s4;
	s6 =	smul.u32 $0x140000, s11  }
0x7: {  	s7 =	smul.u32 $0x14000, s3;
	_ =	strace $0x8000004A;
	s8 =	sshll.u32 s3, $0x5  }
0x8: {  	s9 =	smul.u32 $0x50000, s3;
	s29 =	ssub.s32 $0x2, s11;
	s15 =	sshll.u32 s11, $0x4  }
0x9: {  	s17 =	sshll.u32 s3, $0x6;
	s13 =	sadd.s32 s8, s5;
	s30 =	sshrl.u32 s29, $0x1  }
0xa: {  	s17 =	sor.u32 $0x1C02, s17;
	s6 =	sadd.s32 s7, s6;
	s9 =	sshrl.u32 s9, $0x2  }
0xb: {  	s14 =	ssub.s32 s29, s30;
	s31 =	sadd.s32 s15, s13;
	s6 =	sshrl.u32 s6, $0x3  }
0xc: {  	s15 =	simm.s32 $0x100;
	s12 =	sadd.s32 s6, s5;
	s5 =	sadd.s32 s9, s2  }
0xd: {  	s13 =	sadd.s32 $0x3200, s31;
	s6 =	sshll.u32 s3, $0x1;
	s7 =	sadd.s32 $0x4000, s5  }
0xe: {  	s8 =	sadd.s32 $0x8000, s5;
	s9 =	sadd.s32 $0xC000, s5;
	s10 =	sadd.s32 $0x10000, s5  }
0xf: {  	v0 =	vimm.f32 $0.0e+00;
	s11 =	sadd.s32 $0x16E00, s12;
	s12 =	smax.u32 s14, $0x1;
	s14 =	sadd.s32 $0xD000, s31  }
.LBB2_1:
0x10: {  	s18 =	simm.s32 $0x0;
	s19 =	simm.s32 $0x200  }
.LBB2_2:
0x11: {  	p0 =	sne.s32 s19, $0xFE00;
	[tilespmem:s18+$0x170] =	vst v0  }
0x12: {  	[tilespmem:s18+$0x100] =	vst v0  }
0x13: {  	[tilespmem:s18+$0x110] =	vst v0  }
.Ltmp0:
0x14: {  	[tilespmem:s18+$0x120] =	vst v0;
	(pc) =	sbr.rel @p0 .LBB2_2-.Ltmp0, $4  }
0x15: {  	[tilespmem:s18+$0x130] =	vst v0  }
0x16: {  	[tilespmem:s18+$0x140] =	vst v0  }
0x17: {  	[tilespmem:s18+$0x150] =	vst v0  }
0x18: {  	[tilespmem:s18+$0x160] =	vst v0;
	s18 =	sshra.s32 s19, $0x2;
	s19 =	sadd.s32 $0x200, s19  }
0x19: {  	[tilespmem:s18+$0x170] =	vst v0  }
0x1a: {  	[tilespmem:s18+$0x100] =	vst v0  }
0x1b: {  	[tilespmem:s18+$0x110] =	vst v0  }
0x1c: {  	[tilespmem:s18+$0x120] =	vst v0  }
0x1d: {  	[tilespmem:s18+$0x130] =	vst v0  }
0x1e: {  	[tilespmem:s18+$0x140] =	vst v0  }
0x1f: {  	[tilespmem:s18+$0x150] =	vst v0  }
0x20: {  	[tilespmem:s18+$0x160] =	vst v0  }
0x21: {  	[spmem:s5] =	stream.linear.scatter [tilespmem:s15], [sflag:$0x2], $0x4000, $0x38;
	[tilespmem:$0x18100] =	vst v63  }
0x22: {  	_ =	swait.ge [sflag:s16], $0x4000  }
0x23: {  	[sflag:s16] =	ssyncset.done $0x0  }
0x24: {  	[sflag:s16] =	ssyncadd.s32 $0xFFFFC000  }
0x25: {  	[spmem:s7] =	stream.linear.scatter [tilespmem:s15], [sflag:$0x2], $0x4000, $0x38;
	[tilespmem:$0x18100] =	vst v63  }
0x26: {  	_ =	swait.ge [sflag:s16], $0x4000  }
0x27: {  	[sflag:s16] =	ssyncset.done $0x0  }
0x28: {  	[sflag:s16] =	ssyncadd.s32 $0xFFFFC000  }
0x29: {  	[spmem:s8] =	stream.linear.scatter [tilespmem:s15], [sflag:$0x2], $0x4000, $0x38;
	[tilespmem:$0x18100] =	vst v63  }
0x2a: {  	_ =	swait.ge [sflag:s16], $0x4000  }
0x2b: {  	[sflag:s16] =	ssyncset.done $0x0  }
0x2c: {  	[sflag:s16] =	ssyncadd.s32 $0xFFFFC000  }
0x2d: {  	[spmem:s9] =	stream.linear.scatter [tilespmem:s15], [sflag:$0x2], $0x4000, $0x38;
	[tilespmem:$0x18100] =	vst v63  }
0x2e: {  	_ =	swait.ge [sflag:s16], $0x4000  }
0x2f: {  	[sflag:s16] =	ssyncset.done $0x0  }
0x30: {  	[sflag:s16] =	ssyncadd.s32 $0xFFFFC000  }
0x31: {  	[spmem:s10] =	stream.linear.scatter [tilespmem:s15], [sflag:$0x2], $0x4000, $0x38;
	[tilespmem:$0x18100] =	vst v63  }
0x32: {  	_ =	swait.ge [sflag:s16], $0x4000  }
0x33: {  	p0 =	sgt.u32 s6, $0x9C3;
	[sflag:s16] =	ssyncset.done $0x0  }
0x34: {  	s18 =	sadd.s32 @!p0 $0x0, s14;
	[sflag:s16] =	ssyncadd.s32 $0xFFFFC000  }
0x35: {  	s19 =	simm.s32 @!p0 $0x0;
	s20 =	simm.s32 @!p0 $0x3;
	[bflag:$0x0] =	sbarrier.arrive $0xFFFF  }
0x36: {  	[tilespmem:s19], [sflag:$0x3] =	stream.linear.gather @!p0 [hbm4b:s18+s19], $0x80, $0x38;
	[tilespmem:$0x18100] =	vst v63  }
0x37: {  	_ =	swait.ge @!p0 [sflag:s20], $0x80;
	p0 =	por p0, p0  }
0x38: {  	[sflag:s20] =	ssyncset.done @!p0 $0x0  }
0x39: {  	s18 =	sadd.s32 @!p0 $0x0, s13;
	s21 =	simm.s32 @!p0 $0x80;
	[sflag:s20] =	ssyncadd.s32 @!p0 $0xFFFFFF80  }
0x3a: {  	[tilespmem:s21], [sflag:$0x3] =	stream.linear.gather @!p0 [hbm4b:s18+s19], $0x80, $0x38;
	[tilespmem:$0x18100] =	vst v63  }
0x3b: {  	_ =	swait.ge @!p0 [sflag:s20], $0x80  }
0x3c: {  	[sflag:s20] =	ssyncset.done @!p0 $0x0  }
0x3d: {  	s18 =	simm.s32 @!p0 $0x100;
	[sflag:s20] =	ssyncadd.s32 @!p0 $0xFFFFFF80;
	s20 =	simm.s32 @!p0 $0x1  }
0x3e: {  	[tilespmem:s18], [sflag:$0x1] =	stream.indirect.gather @!p0 [hbm4b:s1+s21], $0x80, s19, s21, $0xb8;
	[tilespmem:$0x18100] =	vst v63  }
0x3f: {  	_ =	swait.ge @!p0 [sflag:s20], $0x4000  }
0x40: {  	[sflag:s20] =	ssyncset.done @!p0 $0x0  }
0x41: {  	s19 =	sadd.s32 $0x20, s6;
	[sflag:s20] =	ssyncadd.s32 @!p0 $0xFFFFC000  }
0x42: {  	[spmem:s2] =	stream.indirect.scatter.add.f32 @!p0 [tilespmem:s18], [sflag:$0x2], $0x80, s21, s21, $0xb8;
	[tilespmem:$0x18100] =	vst v63  }
0x43: {  	p2 =	sgt.u32 s19, $0x9C3;
	s21 =	simm.s32 @!p0 $0x2  }
0x44: {  	s20 =	simm.s32 $0x400;
	s18 =	simm.s32 $0x200;
	_ =	swait.ge @!p0 [sflag:s21], $0x4000  }
.LBB2_4:
0x45: {  	s22 =	sadd.s32 @!p2 s18, s14  }
0x46: {  	s23 =	simm.s32 @!p2 $0x0;
	[sflag:s21] =	ssyncset.done @!p0 $0x0;
	s24 =	smov.u32 s20  }
0x47: {  	s20 =	sadd.s32 $0x200, s20;
	s25 =	simm.s32 @!p2 $0x3;
	[sflag:s21] =	ssyncadd.s32 @!p0 $0xFFFFC000  }
0x48: {  	[tilespmem:s23], [sflag:$0x3] =	stream.linear.gather @!p2 [hbm4b:s22+s23], $0x80, $0x38;
	[tilespmem:$0x18100] =	vst v63  }
0x49: {  	p1 =	sne.s32 s20, $0x9E00;
	p0 =	por p2, p2;
	_ =	swait.ge @!p2 [sflag:s25], $0x80  }
0x4a: {  	[sflag:s25] =	ssyncset.done @!p0 $0x0  }
0x4b: {  	s18 =	sadd.s32 @!p0 s18, s13;
	s22 =	simm.s32 @!p0 $0x80;
	[sflag:s25] =	ssyncadd.s32 @!p0 $0xFFFFFF80  }
0x4c: {  	[tilespmem:s22], [sflag:$0x3] =	stream.linear.gather @!p0 [hbm4b:s18+s23], $0x80, $0x38;
	[tilespmem:$0x18100] =	vst v63  }
0x4d: {  	s18 =	smov.u32 s24;
	_ =	swait.ge @!p0 [sflag:s25], $0x80  }
0x4e: {  	[sflag:s25] =	ssyncset.done @!p0 $0x0  }
0x4f: {  	s21 =	simm.s32 @!p0 $0x1;
	s24 =	simm.s32 @!p0 $0x100;
	[sflag:s25] =	ssyncadd.s32 @!p0 $0xFFFFFF80  }
0x50: {  	[tilespmem:s24], [sflag:$0x1] =	stream.indirect.gather @!p0 [hbm4b:s1+s22], $0x80, s23, s22, $0xb8;
	[tilespmem:$0x18100] =	vst v63  }
.Ltmp1:
0x51: {  	_ =	swait.ge @!p0 [sflag:s21], $0x4000;
	(pc) =	sbr.rel @p1 .LBB2_4-.Ltmp1, $4  }
0x52: {  	[sflag:s21] =	ssyncset.done @!p0 $0x0  }
0x53: {  	s19 =	sadd.s32 $0x20, s19;
	[sflag:s21] =	ssyncadd.s32 @!p0 $0xFFFFC000;
	s21 =	simm.s32 @!p0 $0x2  }
0x54: {  	[spmem:s2] =	stream.indirect.scatter.add.f32 @!p0 [tilespmem:s24], [sflag:$0x2], $0x80, s22, s22, $0xb8;
	[tilespmem:$0x18100] =	vst v63  }
0x55: {  	p2 =	sgt.u32 s19, $0x9C3;
	_ =	swait.ge @!p0 [sflag:s21], $0x4000  }
0x56: {  	s19 =	sadd.s32 @!p2 s18, s14;
	[sflag:s21] =	ssyncset.done @!p0 $0x0  }
0x57: {  	s20 =	simm.s32 @!p2 $0x0;
	s22 =	simm.s32 @!p2 $0x3;
	[sflag:s21] =	ssyncadd.s32 @!p0 $0xFFFFC000  }
0x58: {  	[tilespmem:s20], [sflag:$0x3] =	stream.linear.gather @!p2 [hbm4b:s19+s20], $0x80, $0x38;
	[tilespmem:$0x18100] =	vst v63  }
0x59: {  	p0 =	por p2, p2;
	_ =	swait.ge @!p2 [sflag:s22], $0x80  }
0x5a: {  	[sflag:s22] =	ssyncset.done @!p0 $0x0  }
0x5b: {  	s18 =	sadd.s32 @!p0 s18, s13;
	s19 =	simm.s32 @!p0 $0x80;
	[sflag:s22] =	ssyncadd.s32 @!p0 $0xFFFFFF80  }
0x5c: {  	[tilespmem:s19], [sflag:$0x3] =	stream.linear.gather @!p0 [hbm4b:s18+s20], $0x80, $0x38;
	[tilespmem:$0x18100] =	vst v63  }
0x5d: {  	_ =	swait.ge @!p0 [sflag:s22], $0x80  }
0x5e: {  	[sflag:s22] =	ssyncset.done @!p0 $0x0  }
0x5f: {  	s21 =	simm.s32 @!p0 $0x1;
	s18 =	simm.s32 @!p0 $0x100;
	[sflag:s22] =	ssyncadd.s32 @!p0 $0xFFFFFF80  }
0x60: {  	[tilespmem:s18], [sflag:$0x1] =	stream.indirect.gather @!p0 [hbm4b:s1+s19], $0x80, s20, s19, $0xb8;
	[tilespmem:$0x18100] =	vst v63  }
0x61: {  	_ =	swait.ge @!p0 [sflag:s21], $0x4000  }
0x62: {  	[sflag:s21] =	ssyncset.done @!p0 $0x0  }
0x63: {  	s20 =	simm.s32 @!p0 $0x2;
	[sflag:s21] =	ssyncadd.s32 @!p0 $0xFFFFC000  }
0x64: {  	[spmem:s2] =	stream.indirect.scatter.add.f32 @!p0 [tilespmem:s18], [sflag:$0x2], $0x80, s19, s19, $0xb8;
	[tilespmem:$0x18100] =	vst v63  }
0x65: {  	_ =	swait.ge @!p0 [sflag:s20], $0x4000  }
0x66: {  	s4 =	sadd.s32 $0x1, s4;
	[sflag:s20] =	ssyncset.done @!p0 $0x0  }
0x67: {  	[sflag:s20] =	ssyncadd.s32 @!p0 $0xFFFFC000;
	p0 =	sne.s32 s4, s12  }
.Ltmp2:
0x68: {  	s31 =	sshrl.u32 s5, $0x3;
	[bflag:$0x0] =	sbarrier.arrive $0xFFFF;
	(pc) =	sbr.rel @p0 .LBB2_1-.Ltmp2, $4  }
0x69: {  	[hbm:s11], [sflag:s17] =	dma.local [spmem:s31], $0x2800  }
0x6a: {  	_ =	swait.ge [sflag:s16], $0x2800  }
0x6b: {  	[sflag:s16] =	ssyncset.done $0x0  }
0x6c: {  	[sflag:s16] =	ssyncadd.s32 $0xFFFFD800  }
0x6d: {  	_ =	sfence.sel $0x180000  }
0x6e: {  	[bflag:$0x0] =	sbarrier.arrive $0xFFFF  }
0x6f: {  	p0 =	sne.s32 s3, $0x0;
	_ =	strace $0x9000004A  }
0x70: {  	s0 =	sadd.s32 @!p0 $0x100000, s0;
	[bflag:$0x2] =	sbarrier.arrive $0xFFFF  }
0x71: {  	[sflag:s0] =	ssyncadd.tile.s32 @!p0 $0x1;
	_ =	shalt  }
.Lfunc_end2:
_tile_overlayer_lowered:
.L_overlay_start_2:
0x72: {  	(tag) =	ssettag $0x2  }
0x73: {  	s0 =	rddreg [dreg:$0x0];
	s2 =	stileid.u32  }
0x74: {  	s1 =	rddreg [dreg:$0x1];
	p0 =	sne.s32 s2, $0x0  }
0x75: {  	s3 =	rddreg [dreg:$0x2];
	[bflag:$0x3] =	sbarrier.arrive $0xFFFF;
	s2 =	simm.s32 @!p0 $0x1C02  }
0x76: {  	[timem:s3], [sflag:s2] =	dma.local @!p0 [hbm:s0], s1  }
0x77: {  	s0 =	simm.s32 @!p0 $0x2  }
0x78: {  	_ =	swait.ge @!p0 [sflag:s0], s1  }
0x79: {  	s1 =	ssub.s32 @!p0 $0x0, s1;
	[sflag:s0] =	ssyncset.done @!p0 $0x0  }
0x7a: {  	[sflag:s0] =	ssyncadd.s32 @!p0 s1  }
0x7b: {  	[bflag:$0x3] =	sbarrier.arrive $0xFFFF  }
0x7c: {  	_ =	shalt  }

</sc_bundles>
